<compile_context>
chip_gen: v7x
topology: tpu7x:2x2x1
jax: 0.10.2.dev20260603
libtpu: 0.0.44.dev20260713+nightly
codegen_flags: <defaults>
</compile_context>

<pallas_src>
import functools

import jax
import jax.numpy as jnp
from jax import lax
from jax.experimental import pallas as pl
from jax.experimental.pallas import tpu as pltpu
from jax.experimental.pallas import tpu_sc as plsc

VOCAB = 1000000
EMBED = 64
HIDDEN = 128
BATCH = 16384

NC = 2
NS = 16
NW = NC * NS
B_FLAT = BATCH * 2
B_PER_W = B_FLAT // NW
CHUNK = 128
N_CHUNKS = B_PER_W // CHUNK
NBUF = 7


def _gather_body(idx_hbm, table_hbm, out_hbm, idx_v, rows_v, gsem, wsem):
    wid = lax.axis_index("s") * NC + lax.axis_index("c")
    base = wid * B_PER_W
    pltpu.sync_copy(idx_hbm.at[wid], idx_v)
    gc = [None] * N_CHUNKS
    wc = [None] * N_CHUNKS
    for j in range(NBUF):
        gc[j] = pltpu.async_copy(
            table_hbm.at[idx_v.at[j]], rows_v.at[j], gsem
        )
    for j in range(N_CHUNKS):
        gc[j].wait()
        wc[j] = pltpu.async_copy(
            rows_v.at[j % NBUF],
            out_hbm.at[pl.ds(base + j * CHUNK, CHUNK)],
            wsem,
        )
        nj = j + NBUF
        if nj < N_CHUNKS:
            wc[j].wait()
            gc[nj] = pltpu.async_copy(
                table_hbm.at[idx_v.at[nj]], rows_v.at[j % NBUF], gsem
            )
    for j in range(N_CHUNKS - NBUF, N_CHUNKS):
        wc[j].wait()


@functools.cache
def _gather_call():
    return pl.kernel(
        _gather_body,
        out_type=jax.ShapeDtypeStruct((B_FLAT, 2 * EMBED), jnp.int32),
        mesh=plsc.VectorSubcoreMesh(
            core_axis_name="c", subcore_axis_name="s",
            num_cores=NC, num_subcores=NS,
        ),
        scratch_types=[
            pltpu.VMEM((N_CHUNKS, CHUNK), jnp.int32),
            pltpu.VMEM((NBUF, CHUNK, 2 * EMBED), jnp.int32),
            pltpu.SemaphoreType.DMA,
            pltpu.SemaphoreType.DMA,
        ],
    )


TK = 32768
TKQ = TK // 4
SH = 13
N_BLOCKS = (VOCAB + TK - 1) // TK
QUADS = N_BLOCKS * TKQ


def _rne16(u):
    return (u + 0x7FFF + ((u >> 16) & 1)) >> 16


def _pack_body(t_ref, eye_ref, o_ref):
    a = lax.dot_general(
        t_ref[...], eye_ref[...], (((0,), (0,)), ((), ())),
        preferred_element_type=jnp.float32,
    )
    u = lax.bitcast_convert_type(a, jnp.uint32)
    p01 = _rne16(u[:TKQ]) | (_rne16(u[TKQ:2 * TKQ]) << 16)
    p23 = _rne16(u[2 * TKQ:3 * TKQ]) | (_rne16(u[3 * TKQ:]) << 16)
    o_ref[...] = lax.bitcast_convert_type(
        jnp.concatenate([p01, p23], axis=1), jnp.int32
    )


def _pack_call(emb_t, eye):
    return pl.pallas_call(
        _pack_body,
        grid=(N_BLOCKS,),
        in_specs=[
            pl.BlockSpec((EMBED, TK), lambda i: (0, i)),
            pl.BlockSpec((EMBED, EMBED), lambda i: (0, 0)),
        ],
        out_specs=pl.BlockSpec((TKQ, 2 * EMBED), lambda i: (i, 0)),
        out_shape=jax.ShapeDtypeStruct((QUADS, 2 * EMBED), jnp.int32),
    )(emb_t, eye)


def _unpack(g, s):
    half = jnp.where((s & 2) == 2, g[:, EMBED:], g[:, :EMBED])
    bits = jnp.where((s & 1) == 1, (half >> 16) & 0xFFFF, half & 0xFFFF)
    return lax.bitcast_convert_type(bits << 16, jnp.float32)


def _mlp_body(g0_ref, g1_ref, p_ref, w1_ref, b1_ref, w2_ref, b2_ref, o_ref):
    p = p_ref[...]
    c0 = _unpack(g0_ref[...], p[:, 0:1])
    c1 = _unpack(g1_ref[...], p[:, 1:2])
    c = jnp.concatenate([c0, c1], axis=1)
    h = lax.dot_general(
        c, w1_ref[...], (((1,), (1,)), ((), ())),
        preferred_element_type=jnp.float32,
    )
    h = jnp.maximum(h + b1_ref[...], 0.0)
    o = jnp.sum(h * w2_ref[...], axis=1, keepdims=True)
    o_ref[...] = jax.nn.sigmoid(o + b2_ref[0, 0])


BT = 2048


def _mlp_call(g, par, W1, b1, W2, b2):
    grid = (BATCH // BT,)
    return pl.pallas_call(
        _mlp_body,
        grid=grid,
        in_specs=[
            pl.BlockSpec((BT, 2 * EMBED), lambda i: (i, 0)),
            pl.BlockSpec((BT, 2 * EMBED), lambda i: (i + BATCH // BT, 0)),
            pl.BlockSpec((BT, 2), lambda i: (i, 0)),
            pl.BlockSpec((HIDDEN, 2 * EMBED), lambda i: (0, 0)),
            pl.BlockSpec((1, HIDDEN), lambda i: (0, 0)),
            pl.BlockSpec((1, HIDDEN), lambda i: (0, 0)),
            pl.BlockSpec(memory_space=pltpu.SMEM),
        ],
        out_specs=pl.BlockSpec((BT, 1), lambda i: (i, 0)),
        out_shape=jax.ShapeDtypeStruct((BATCH, 1), jnp.float32),
    )(g, g, par, W1, b1, W2, b2)


def kernel(x, emb, W1, b1, W2, b2):
    par = (x >> SH) & 3
    r = ((x >> (SH + 2)) << SH) + (x & (TKQ - 1))
    idx = jnp.concatenate([r[:, 0], r[:, 1]]).reshape(NW, N_CHUNKS, CHUNK)
    table2 = _pack_call(emb.T, jnp.eye(EMBED, dtype=jnp.float32))
    g = _gather_call()(idx, table2)
    return _mlp_call(
        g, par, W1, b1.reshape(1, HIDDEN), W2, b2.reshape(1, 1)
    )

# --- scband reference (transcript-rebuilt; emitter-appended) ---
"""Pipeline reference for scband-word2-vec-classifier-30837865185724 (READ-ONLY COPY).

The authoritative reference and input builder live on the scoring server;
editing this copy changes nothing except your own understanding.
"""

import jax, jax.numpy as jnp
import numpy as np

VOCAB = 1000000
EMBED = 64
HIDDEN = 128
BATCH = 16384

def setup_inputs(seed: int = 0) -> dict:
    key = jax.random.key(seed)
    k_x, k_emb, k_w1, k_b1, k_w2, k_b2 = jax.random.split(key, 6)
    x = jax.random.randint(k_x, (BATCH, 2), 0, VOCAB, dtype=jnp.int64 if jax.config.jax_enable_x64 else jnp.int32).astype(jnp.int32)
    emb = jax.random.normal(k_emb, (VOCAB, EMBED), dtype=jnp.float32)
    # nn.Linear default init ~ U(-1/sqrt(fan_in), 1/sqrt(fan_in))
    lim1 = 1.0 / np.sqrt(EMBED * 2)
    W1 = jax.random.uniform(k_w1, (HIDDEN, EMBED * 2), minval=-lim1, maxval=lim1, dtype=jnp.float32)
    b1 = jax.random.uniform(k_b1, (HIDDEN,), minval=-lim1, maxval=lim1, dtype=jnp.float32)
    lim2 = 1.0 / np.sqrt(HIDDEN)
    W2 = jax.random.uniform(k_w2, (1, HIDDEN), minval=-lim2, maxval=lim2, dtype=jnp.float32)
    b2 = jax.random.uniform(k_b2, (1,), minval=-lim2, maxval=lim2, dtype=jnp.float32)
    return {"x": x, "emb": emb, "W1": W1, "b1": b1, "W2": W2, "b2": b2}

def reference(x, emb, W1, b1, W2, b2):
    word1 = jnp.take(emb, x[:, 0], axis=0)
    word2 = jnp.take(emb, x[:, 1], axis=0)
    combined = jnp.concatenate((word1, word2), axis=1)
    hidden = jax.nn.relu(combined @ W1.T + b1)
    output = jax.nn.sigmoid(hidden @ W2.T + b2)
    return output

if __name__ == "__main__":
    import jax
    _d = setup_inputs()
    print(jax.jit(kernel)(*tuple(_d.values())))

</pallas_src>

<mosaic_0001>
#map = affine_map<(d0, d1) -> (0, 0, 0)>
#map1 = affine_map<(d0, d1) -> (0, 0)>
module attributes {stable_mosaic.version = 14 : i64} {
  func.func @_gather_body(%arg0: i32, %arg1: i32, %arg2: memref<32x8x128xi32, #tpu.memory_space<hbm>>, %arg3: memref<253952x128xi32, #tpu.memory_space<hbm>>, %arg4: memref<32768x128xi32, #tpu.memory_space<hbm>>, %arg5: memref<8x128xi32, #tpu.memory_space<vmem>>, %arg6: memref<7x128x128xi32, #tpu.memory_space<vmem>>, %arg7: memref<!tpu.dma_semaphore, #tpu.memory_space<semaphore_mem>>, %arg8: memref<!tpu.dma_semaphore, #tpu.memory_space<semaphore_mem>>) attributes {dimension_semantics = [#tpu.dimension_semantics<core_parallel>, #tpu.dimension_semantics<subcore_parallel>], iteration_bounds = array<i64: 2, 16>, scalar_prefetch = 0 : i64, scratch_operands = 4 : i64, tpu.core_type = #tpu.core_type<sc_vector_subcore>, window_params = [{transform_indices = #map}, {transform_indices = #map1}, {transform_indices = #map1}]} {
    %mul3A = arith.constant 2 : i32
    %mul3A_0 = arith.muli %arg1, %mul3A : i32
    %add3A = arith.addi %mul3A_0, %arg0 : i32
    %mul3A_1 = arith.constant 1024 : i32
    %mul3A_2 = arith.muli %add3A, %mul3A_1 : i32
    "tpu.region"() ({
      %run_scoped3A = tpu.sem_alloc : memref<!tpu.dma_semaphore, #tpu.memory_space<semaphore_mem>>
      %dma_start3A_417 = arith.constant 0 : i32
      %dma_start3A_418 = arith.constant 0 : i32
      %dma_start3A_419 = tpu.memref_slice %arg2[%add3A, %dma_start3A_417, %dma_start3A_418] : memref<32x8x128xi32, #tpu.memory_space<hbm>> -> memref<1x8x128xi32, #tpu.memory_space<hbm>>
      %dma_start3A_420 = tpu.memref_squeeze %dma_start3A_419 : memref<1x8x128xi32, #tpu.memory_space<hbm>> -> memref<8x128xi32, #tpu.memory_space<hbm>>
      %dma_start3A_421 = arith.constant 0 : i32
      %dma_start3A_422 = arith.constant 0 : i32
      %dma_start3A_423 = tpu.memref_slice %arg2[%add3A, %dma_start3A_421, %dma_start3A_422] : memref<32x8x128xi32, #tpu.memory_space<hbm>> -> memref<1x8x128xi32, #tpu.memory_space<hbm>>
      %dma_start3A_424 = tpu.memref_squeeze %dma_start3A_423 : memref<1x8x128xi32, #tpu.memory_space<hbm>> -> memref<8x128xi32, #tpu.memory_space<hbm>>
      tpu.enqueue_dma source(%dma_start3A_424 : memref<8x128xi32, #tpu.memory_space<hbm>>) target(%arg5 : memref<8x128xi32, #tpu.memory_space<vmem>>) target_semaphore(%run_scoped3A : memref<!tpu.dma_semaphore, #tpu.memory_space<semaphore_mem>>)
      %dma_wait3A_425 = arith.constant 0 : i32
      %dma_wait3A_426 = arith.constant 0 : i32
      %dma_wait3A_427 = tpu.memref_slice %arg2[%add3A, %dma_wait3A_425, %dma_wait3A_426] : memref<32x8x128xi32, #tpu.memory_space<hbm>> -> memref<1x8x128xi32, #tpu.memory_space<hbm>>
      %dma_wait3A_428 = tpu.memref_squeeze %dma_wait3A_427 : memref<1x8x128xi32, #tpu.memory_space<hbm>> -> memref<8x128xi32, #tpu.memory_space<hbm>>
      %dma_wait3A_429 = arith.constant 0 : i32
      %dma_wait3A_430 = arith.constant 0 : i32
      %dma_wait3A_431 = tpu.memref_slice %arg2[%add3A, %dma_wait3A_429, %dma_wait3A_430] : memref<32x8x128xi32, #tpu.memory_space<hbm>> -> memref<1x8x128xi32, #tpu.memory_space<hbm>>
      %dma_wait3A_432 = tpu.memref_squeeze %dma_wait3A_431 : memref<1x8x128xi32, #tpu.memory_space<hbm>> -> memref<8x128xi32, #tpu.memory_space<hbm>>
      tpu.wait_dma2 semaphore(%run_scoped3A : memref<!tpu.dma_semaphore, #tpu.memory_space<semaphore_mem>>) src(%dma_wait3A_432 : memref<8x128xi32, #tpu.memory_space<hbm>>) dst(%arg5 : memref<8x128xi32, #tpu.memory_space<vmem>>)
      tpu.yield
    }) : () -> ()
    %dma_start3A = arith.constant 0 : i32
    %dma_start3A_3 = arith.constant 0 : i32
    %dma_start3A_4 = arith.constant 0 : i32
    %dma_start3A_5 = arith.constant 0 : i32
    %dma_start3A_6 = tpu.memref_slice %arg6[%dma_start3A_3, %dma_start3A_4, %dma_start3A_5] : memref<7x128x128xi32, #tpu.memory_space<vmem>> -> memref<1x128x128xi32, #tpu.memory_space<vmem>>
    %dma_start3A_7 = tpu.memref_squeeze %dma_start3A_6 : memref<1x128x128xi32, #tpu.memory_space<vmem>> -> memref<128x128xi32, #tpu.memory_space<vmem>>
    %dma_start3A_8 = arith.constant 0 : i32
    %dma_start3A_9 = tpu.memref_slice %arg5[%dma_start3A, %dma_start3A_8] : memref<8x128xi32, #tpu.memory_space<vmem>> -> memref<1x128xi32, #tpu.memory_space<vmem>>
    %dma_start3A_10 = tpu.memref_squeeze %dma_start3A_9 : memref<1x128xi32, #tpu.memory_space<vmem>> -> memref<128xi32, #tpu.memory_space<vmem>>
    %dma_start3A_11 = arith.constant 0 : i32
    %dma_start3A_12 = arith.constant 0 : i32
    %dma_start3A_13 = tpu.memref_slice %arg3[%dma_start3A_11, %dma_start3A_12] : memref<253952x128xi32, #tpu.memory_space<hbm>> -> memref<253952x128xi32, #tpu.memory_space<hbm>>
    tpu.enqueue_indirect_dma source(%dma_start3A_13 : memref<253952x128xi32, #tpu.memory_space<hbm>>) target(%dma_start3A_7 : memref<128x128xi32, #tpu.memory_space<vmem>>) offsets(%dma_start3A_10 : memref<128xi32, #tpu.memory_space<vmem>>) semaphore(%arg7 : memref<!tpu.dma_semaphore, #tpu.memory_space<semaphore_mem>>)
    %dma_start3A_14 = arith.constant 1 : i32
    %dma_start3A_15 = arith.constant 1 : i32
    %dma_start3A_16 = arith.constant 0 : i32
    %dma_start3A_17 = arith.constant 0 : i32
    %dma_start3A_18 = tpu.memref_slice %arg6[%dma_start3A_15, %dma_start3A_16, %dma_start3A_17] : memref<7x128x128xi32, #tpu.memory_space<vmem>> -> memref<1x128x128xi32, #tpu.memory_space<vmem>>
    %dma_start3A_19 = tpu.memref_squeeze %dma_start3A_18 : memref<1x128x128xi32, #tpu.memory_space<vmem>> -> memref<128x128xi32, #tpu.memory_space<vmem>>
    %dma_start3A_20 = arith.constant 0 : i32
    %dma_start3A_21 = tpu.memref_slice %arg5[%dma_start3A_14, %dma_start3A_20] : memref<8x128xi32, #tpu.memory_space<vmem>> -> memref<1x128xi32, #tpu.memory_space<vmem>>
    %dma_start3A_22 = tpu.memref_squeeze %dma_start3A_21 : memref<1x128xi32, #tpu.memory_space<vmem>> -> memref<128xi32, #tpu.memory_space<vmem>>
    %dma_start3A_23 = arith.constant 0 : i32
    %dma_start3A_24 = arith.constant 0 : i32
    %dma_start3A_25 = tpu.memref_slice %arg3[%dma_start3A_23, %dma_start3A_24] : memref<253952x128xi32, #tpu.memory_space<hbm>> -> memref<253952x128xi32, #tpu.memory_space<hbm>>
    tpu.enqueue_indirect_dma source(%dma_start3A_25 : memref<253952x128xi32, #tpu.memory_space<hbm>>) target(%dma_start3A_19 : memref<128x128xi32, #tpu.memory_space<vmem>>) offsets(%dma_start3A_22 : memref<128xi32, #tpu.memory_space<vmem>>) semaphore(%arg7 : memref<!tpu.dma_semaphore, #tpu.memory_space<semaphore_mem>>)
    %dma_start3A_26 = arith.constant 2 : i32
    %dma_start3A_27 = arith.constant 2 : i32
    %dma_start3A_28 = arith.constant 0 : i32
    %dma_start3A_29 = arith.constant 0 : i32
    %dma_start3A_30 = tpu.memref_slice %arg6[%dma_start3A_27, %dma_start3A_28, %dma_start3A_29] : memref<7x128x128xi32, #tpu.memory_space<vmem>> -> memref<1x128x128xi32, #tpu.memory_space<vmem>>
    %dma_start3A_31 = tpu.memref_squeeze %dma_start3A_30 : memref<1x128x128xi32, #tpu.memory_space<vmem>> -> memref<128x128xi32, #tpu.memory_space<vmem>>
    %dma_start3A_32 = arith.constant 0 : i32
    %dma_start3A_33 = tpu.memref_slice %arg5[%dma_start3A_26, %dma_start3A_32] : memref<8x128xi32, #tpu.memory_space<vmem>> -> memref<1x128xi32, #tpu.memory_space<vmem>>
    %dma_start3A_34 = tpu.memref_squeeze %dma_start3A_33 : memref<1x128xi32, #tpu.memory_space<vmem>> -> memref<128xi32, #tpu.memory_space<vmem>>
    %dma_start3A_35 = arith.constant 0 : i32
    %dma_start3A_36 = arith.constant 0 : i32
    %dma_start3A_37 = tpu.memref_slice %arg3[%dma_start3A_35, %dma_start3A_36] : memref<253952x128xi32, #tpu.memory_space<hbm>> -> memref<253952x128xi32, #tpu.memory_space<hbm>>
    tpu.enqueue_indirect_dma source(%dma_start3A_37 : memref<253952x128xi32, #tpu.memory_space<hbm>>) target(%dma_start3A_31 : memref<128x128xi32, #tpu.memory_space<vmem>>) offsets(%dma_start3A_34 : memref<128xi32, #tpu.memory_space<vmem>>) semaphore(%arg7 : memref<!tpu.dma_semaphore, #tpu.memory_space<semaphore_mem>>)
    %dma_start3A_38 = arith.constant 3 : i32
    %dma_start3A_39 = arith.constant 3 : i32
    %dma_start3A_40 = arith.constant 0 : i32
    %dma_start3A_41 = arith.constant 0 : i32
    %dma_start3A_42 = tpu.memref_slice %arg6[%dma_start3A_39, %dma_start3A_40, %dma_start3A_41] : memref<7x128x128xi32, #tpu.memory_space<vmem>> -> memref<1x128x128xi32, #tpu.memory_space<vmem>>
    %dma_start3A_43 = tpu.memref_squeeze %dma_start3A_42 : memref<1x128x128xi32, #tpu.memory_space<vmem>> -> memref<128x128xi32, #tpu.memory_space<vmem>>
    %dma_start3A_44 = arith.constant 0 : i32
    %dma_start3A_45 = tpu.memref_slice %arg5[%dma_start3A_38, %dma_start3A_44] : memref<8x128xi32, #tpu.memory_space<vmem>> -> memref<1x128xi32, #tpu.memory_space<vmem>>
    %dma_start3A_46 = tpu.memref_squeeze %dma_start3A_45 : memref<1x128xi32, #tpu.memory_space<vmem>> -> memref<128xi32, #tpu.memory_space<vmem>>
    %dma_start3A_47 = arith.constant 0 : i32
    %dma_start3A_48 = arith.constant 0 : i32
    %dma_start3A_49 = tpu.memref_slice %arg3[%dma_start3A_47, %dma_start3A_48] : memref<253952x128xi32, #tpu.memory_space<hbm>> -> memref<253952x128xi32, #tpu.memory_space<hbm>>
    tpu.enqueue_indirect_dma source(%dma_start3A_49 : memref<253952x128xi32, #tpu.memory_space<hbm>>) target(%dma_start3A_43 : memref<128x128xi32, #tpu.memory_space<vmem>>) offsets(%dma_start3A_46 : memref<128xi32, #tpu.memory_space<vmem>>) semaphore(%arg7 : memref<!tpu.dma_semaphore, #tpu.memory_space<semaphore_mem>>)
    %dma_start3A_50 = arith.constant 4 : i32
    %dma_start3A_51 = arith.constant 4 : i32
    %dma_start3A_52 = arith.constant 0 : i32
    %dma_start3A_53 = arith.constant 0 : i32
    %dma_start3A_54 = tpu.memref_slice %arg6[%dma_start3A_51, %dma_start3A_52, %dma_start3A_53] : memref<7x128x128xi32, #tpu.memory_space<vmem>> -> memref<1x128x128xi32, #tpu.memory_space<vmem>>
    %dma_start3A_55 = tpu.memref_squeeze %dma_start3A_54 : memref<1x128x128xi32, #tpu.memory_space<vmem>> -> memref<128x128xi32, #tpu.memory_space<vmem>>
    %dma_start3A_56 = arith.constant 0 : i32
    %dma_start3A_57 = tpu.memref_slice %arg5[%dma_start3A_50, %dma_start3A_56] : memref<8x128xi32, #tpu.memory_space<vmem>> -> memref<1x128xi32, #tpu.memory_space<vmem>>
    %dma_start3A_58 = tpu.memref_squeeze %dma_start3A_57 : memref<1x128xi32, #tpu.memory_space<vmem>> -> memref<128xi32, #tpu.memory_space<vmem>>
    %dma_start3A_59 = arith.constant 0 : i32
    %dma_start3A_60 = arith.constant 0 : i32
    %dma_start3A_61 = tpu.memref_slice %arg3[%dma_start3A_59, %dma_start3A_60] : memref<253952x128xi32, #tpu.memory_space<hbm>> -> memref<253952x128xi32, #tpu.memory_space<hbm>>
    tpu.enqueue_indirect_dma source(%dma_start3A_61 : memref<253952x128xi32, #tpu.memory_space<hbm>>) target(%dma_start3A_55 : memref<128x128xi32, #tpu.memory_space<vmem>>) offsets(%dma_start3A_58 : memref<128xi32, #tpu.memory_space<vmem>>) semaphore(%arg7 : memref<!tpu.dma_semaphore, #tpu.memory_space<semaphore_mem>>)
    %dma_start3A_62 = arith.constant 5 : i32
    %dma_start3A_63 = arith.constant 5 : i32
    %dma_start3A_64 = arith.constant 0 : i32
    %dma_start3A_65 = arith.constant 0 : i32
    %dma_start3A_66 = tpu.memref_slice %arg6[%dma_start3A_63, %dma_start3A_64, %dma_start3A_65] : memref<7x128x128xi32, #tpu.memory_space<vmem>> -> memref<1x128x128xi32, #tpu.memory_space<vmem>>
    %dma_start3A_67 = tpu.memref_squeeze %dma_start3A_66 : memref<1x128x128xi32, #tpu.memory_space<vmem>> -> memref<128x128xi32, #tpu.memory_space<vmem>>
    %dma_start3A_68 = arith.constant 0 : i32
    %dma_start3A_69 = tpu.memref_slice %arg5[%dma_start3A_62, %dma_start3A_68] : memref<8x128xi32, #tpu.memory_space<vmem>> -> memref<1x128xi32, #tpu.memory_space<vmem>>
    %dma_start3A_70 = tpu.memref_squeeze %dma_start3A_69 : memref<1x128xi32, #tpu.memory_space<vmem>> -> memref<128xi32, #tpu.memory_space<vmem>>
    %dma_start3A_71 = arith.constant 0 : i32
    %dma_start3A_72 = arith.constant 0 : i32
    %dma_start3A_73 = tpu.memref_slice %arg3[%dma_start3A_71, %dma_start3A_72] : memref<253952x128xi32, #tpu.memory_space<hbm>> -> memref<253952x128xi32, #tpu.memory_space<hbm>>
    tpu.enqueue_indirect_dma source(%dma_start3A_73 : memref<253952x128xi32, #tpu.memory_space<hbm>>) target(%dma_start3A_67 : memref<128x128xi32, #tpu.memory_space<vmem>>) offsets(%dma_start3A_70 : memref<128xi32, #tpu.memory_space<vmem>>) semaphore(%arg7 : memref<!tpu.dma_semaphore, #tpu.memory_space<semaphore_mem>>)
    %dma_start3A_74 = arith.constant 6 : i32
    %dma_start3A_75 = arith.constant 6 : i32
    %dma_start3A_76 = arith.constant 0 : i32
    %dma_start3A_77 = arith.constant 0 : i32
    %dma_start3A_78 = tpu.memref_slice %arg6[%dma_start3A_75, %dma_start3A_76, %dma_start3A_77] : memref<7x128x128xi32, #tpu.memory_space<vmem>> -> memref<1x128x128xi32, #tpu.memory_space<vmem>>
    %dma_start3A_79 = tpu.memref_squeeze %dma_start3A_78 : memref<1x128x128xi32, #tpu.memory_space<vmem>> -> memref<128x128xi32, #tpu.memory_space<vmem>>
    %dma_start3A_80 = arith.constant 0 : i32
    %dma_start3A_81 = tpu.memref_slice %arg5[%dma_start3A_74, %dma_start3A_80] : memref<8x128xi32, #tpu.memory_space<vmem>> -> memref<1x128xi32, #tpu.memory_space<vmem>>
    %dma_start3A_82 = tpu.memref_squeeze %dma_start3A_81 : memref<1x128xi32, #tpu.memory_space<vmem>> -> memref<128xi32, #tpu.memory_space<vmem>>
    %dma_start3A_83 = arith.constant 0 : i32
    %dma_start3A_84 = arith.constant 0 : i32
    %dma_start3A_85 = tpu.memref_slice %arg3[%dma_start3A_83, %dma_start3A_84] : memref<253952x128xi32, #tpu.memory_space<hbm>> -> memref<253952x128xi32, #tpu.memory_space<hbm>>
    tpu.enqueue_indirect_dma source(%dma_start3A_85 : memref<253952x128xi32, #tpu.memory_space<hbm>>) target(%dma_start3A_79 : memref<128x128xi32, #tpu.memory_space<vmem>>) offsets(%dma_start3A_82 : memref<128xi32, #tpu.memory_space<vmem>>) semaphore(%arg7 : memref<!tpu.dma_semaphore, #tpu.memory_space<semaphore_mem>>)
    %dma_wait3A = arith.constant 0 : i32
    %dma_wait3A_86 = arith.constant 0 : i32
    %dma_wait3A_87 = arith.constant 0 : i32
    %dma_wait3A_88 = arith.constant 0 : i32
    %dma_wait3A_89 = tpu.memref_slice %arg6[%dma_wait3A_86, %dma_wait3A_87, %dma_wait3A_88] : memref<7x128x128xi32, #tpu.memory_space<vmem>> -> memref<1x128x128xi32, #tpu.memory_space<vmem>>
    %dma_wait3A_90 = tpu.memref_squeeze %dma_wait3A_89 : memref<1x128x128xi32, #tpu.memory_space<vmem>> -> memref<128x128xi32, #tpu.memory_space<vmem>>
    %dma_wait3A_91 = arith.constant 0 : i32
    %dma_wait3A_92 = tpu.memref_slice %arg5[%dma_wait3A, %dma_wait3A_91] : memref<8x128xi32, #tpu.memory_space<vmem>> -> memref<1x128xi32, #tpu.memory_space<vmem>>
    %dma_wait3A_93 = tpu.memref_squeeze %dma_wait3A_92 : memref<1x128xi32, #tpu.memory_space<vmem>> -> memref<128xi32, #tpu.memory_space<vmem>>
    %dma_wait3A_94 = arith.constant 0 : i32
    %dma_wait3A_95 = arith.constant 0 : i32
    %dma_wait3A_96 = tpu.memref_slice %arg3[%dma_wait3A_94, %dma_wait3A_95] : memref<253952x128xi32, #tpu.memory_space<hbm>> -> memref<253952x128xi32, #tpu.memory_space<hbm>>
    tpu.wait_indirect_dma semaphore(%arg7 : memref<!tpu.dma_semaphore, #tpu.memory_space<semaphore_mem>>) src(%dma_wait3A_96 : memref<253952x128xi32, #tpu.memory_space<hbm>>) dst(%dma_wait3A_90 : memref<128x128xi32, #tpu.memory_space<vmem>>)
    %add3A_97 = arith.constant 0 : i32
    %add3A_98 = arith.addi %mul3A_2, %add3A_97 : i32
    %dma_start3A_99 = arith.constant 0 : i32
    %dma_start3A_100 = arith.constant 0 : i32
    %dma_start3A_101 = arith.constant 0 : i32
    %dma_start3A_102 = tpu.memref_slice %arg6[%dma_start3A_99, %dma_start3A_100, %dma_start3A_101] : memref<7x128x128xi32, #tpu.memory_space<vmem>> -> memref<1x128x128xi32, #tpu.memory_space<vmem>>
    %dma_start3A_103 = tpu.memref_squeeze %dma_start3A_102 : memref<1x128x128xi32, #tpu.memory_space<vmem>> -> memref<128x128xi32, #tpu.memory_space<vmem>>
    %dma_start3A_104 = arith.constant 0 : i32
    %dma_start3A_105 = tpu.memref_slice %arg4[%add3A_98, %dma_start3A_104] : memref<32768x128xi32, #tpu.memory_space<hbm>> -> memref<128x128xi32, #tpu.memory_space<hbm>>
    %dma_start3A_106 = arith.constant 0 : i32
    %dma_start3A_107 = tpu.memref_slice %arg4[%add3A_98, %dma_start3A_106] : memref<32768x128xi32, #tpu.memory_space<hbm>> -> memref<128x128xi32, #tpu.memory_space<hbm>>
    %dma_start3A_108 = arith.constant 0 : i32
    %dma_start3A_109 = arith.constant 0 : i32
    %dma_start3A_110 = tpu.memref_slice %arg6[%dma_start3A_99, %dma_start3A_108, %dma_start3A_109] : memref<7x128x128xi32, #tpu.memory_space<vmem>> -> memref<1x128x128xi32, #tpu.memory_space<vmem>>
    %dma_start3A_111 = tpu.memref_squeeze %dma_start3A_110 : memref<1x128x128xi32, #tpu.memory_space<vmem>> -> memref<128x128xi32, #tpu.memory_space<vmem>>
    tpu.enqueue_dma source(%dma_start3A_111 : memref<128x128xi32, #tpu.memory_space<vmem>>) target(%dma_start3A_107 : memref<128x128xi32, #tpu.memory_space<hbm>>) target_semaphore(%arg8 : memref<!tpu.dma_semaphore, #tpu.memory_space<semaphore_mem>>)
    %dma_wait3A_112 = arith.constant 0 : i32
    %dma_wait3A_113 = arith.constant 0 : i32
    %dma_wait3A_114 = arith.constant 0 : i32
    %dma_wait3A_115 = tpu.memref_slice %arg6[%dma_wait3A_112, %dma_wait3A_113, %dma_wait3A_114] : memref<7x128x128xi32, #tpu.memory_space<vmem>> -> memref<1x128x128xi32, #tpu.memory_space<vmem>>
    %dma_wait3A_116 = tpu.memref_squeeze %dma_wait3A_115 : memref<1x128x128xi32, #tpu.memory_space<vmem>> -> memref<128x128xi32, #tpu.memory_space<vmem>>
    %dma_wait3A_117 = arith.constant 0 : i32
    %dma_wait3A_118 = tpu.memref_slice %arg4[%add3A_98, %dma_wait3A_117] : memref<32768x128xi32, #tpu.memory_space<hbm>> -> memref<128x128xi32, #tpu.memory_space<hbm>>
    %dma_wait3A_119 = arith.constant 0 : i32
    %dma_wait3A_120 = tpu.memref_slice %arg4[%add3A_98, %dma_wait3A_119] : memref<32768x128xi32, #tpu.memory_space<hbm>> -> memref<128x128xi32, #tpu.memory_space<hbm>>
    %dma_wait3A_121 = arith.constant 0 : i32
    %dma_wait3A_122 = arith.constant 0 : i32
    %dma_wait3A_123 = tpu.memref_slice %arg6[%dma_wait3A_112, %dma_wait3A_121, %dma_wait3A_122] : memref<7x128x128xi32, #tpu.memory_space<vmem>> -> memref<1x128x128xi32, #tpu.memory_space<vmem>>
    %dma_wait3A_124 = tpu.memref_squeeze %dma_wait3A_123 : memref<1x128x128xi32, #tpu.memory_space<vmem>> -> memref<128x128xi32, #tpu.memory_space<vmem>>
    tpu.wait_dma2 semaphore(%arg8 : memref<!tpu.dma_semaphore, #tpu.memory_space<semaphore_mem>>) src(%dma_wait3A_124 : memref<128x128xi32, #tpu.memory_space<vmem>>) dst(%dma_wait3A_120 : memref<128x128xi32, #tpu.memory_space<hbm>>)
    %dma_start3A_125 = arith.constant 7 : i32
    %dma_start3A_126 = arith.constant 0 : i32
    %dma_start3A_127 = arith.constant 0 : i32
    %dma_start3A_128 = arith.constant 0 : i32
    %dma_start3A_129 = tpu.memref_slice %arg6[%dma_start3A_126, %dma_start3A_127, %dma_start3A_128] : memref<7x128x128xi32, #tpu.memory_space<vmem>> -> memref<1x128x128xi32, #tpu.memory_space<vmem>>
    %dma_start3A_130 = tpu.memref_squeeze %dma_start3A_129 : memref<1x128x128xi32, #tpu.memory_space<vmem>> -> memref<128x128xi32, #tpu.memory_space<vmem>>
    %dma_start3A_131 = arith.constant 0 : i32
    %dma_start3A_132 = tpu.memref_slice %arg5[%dma_start3A_125, %dma_start3A_131] : memref<8x128xi32, #tpu.memory_space<vmem>> -> memref<1x128xi32, #tpu.memory_space<vmem>>
    %dma_start3A_133 = tpu.memref_squeeze %dma_start3A_132 : memref<1x128xi32, #tpu.memory_space<vmem>> -> memref<128xi32, #tpu.memory_space<vmem>>
    %dma_start3A_134 = arith.constant 0 : i32
    %dma_start3A_135 = arith.constant 0 : i32
    %dma_start3A_136 = tpu.memref_slice %arg3[%dma_start3A_134, %dma_start3A_135] : memref<253952x128xi32, #tpu.memory_space<hbm>> -> memref<253952x128xi32, #tpu.memory_space<hbm>>
    tpu.enqueue_indirect_dma source(%dma_start3A_136 : memref<253952x128xi32, #tpu.memory_space<hbm>>) target(%dma_start3A_130 : memref<128x128xi32, #tpu.memory_space<vmem>>) offsets(%dma_start3A_133 : memref<128xi32, #tpu.memory_space<vmem>>) semaphore(%arg7 : memref<!tpu.dma_semaphore, #tpu.memory_space<semaphore_mem>>)
    %dma_wait3A_137 = arith.constant 1 : i32
    %dma_wait3A_138 = arith.constant 1 : i32
    %dma_wait3A_139 = arith.constant 0 : i32
    %dma_wait3A_140 = arith.constant 0 : i32
    %dma_wait3A_141 = tpu.memref_slice %arg6[%dma_wait3A_138, %dma_wait3A_139, %dma_wait3A_140] : memref<7x128x128xi32, #tpu.memory_space<vmem>> -> memref<1x128x128xi32, #tpu.memory_space<vmem>>
    %dma_wait3A_142 = tpu.memref_squeeze %dma_wait3A_141 : memref<1x128x128xi32, #tpu.memory_space<vmem>> -> memref<128x128xi32, #tpu.memory_space<vmem>>
    %dma_wait3A_143 = arith.constant 0 : i32
    %dma_wait3A_144 = tpu.memref_slice %arg5[%dma_wait3A_137, %dma_wait3A_143] : memref<8x128xi32, #tpu.memory_space<vmem>> -> memref<1x128xi32, #tpu.memory_space<vmem>>
    %dma_wait3A_145 = tpu.memref_squeeze %dma_wait3A_144 : memref<1x128xi32, #tpu.memory_space<vmem>> -> memref<128xi32, #tpu.memory_space<vmem>>
    %dma_wait3A_146 = arith.constant 0 : i32
    %dma_wait3A_147 = arith.constant 0 : i32
    %dma_wait3A_148 = tpu.memref_slice %arg3[%dma_wait3A_146, %dma_wait3A_147] : memref<253952x128xi32, #tpu.memory_space<hbm>> -> memref<253952x128xi32, #tpu.memory_space<hbm>>
    tpu.wait_indirect_dma semaphore(%arg7 : memref<!tpu.dma_semaphore, #tpu.memory_space<semaphore_mem>>) src(%dma_wait3A_148 : memref<253952x128xi32, #tpu.memory_space<hbm>>) dst(%dma_wait3A_142 : memref<128x128xi32, #tpu.memory_space<vmem>>)
    %add3A_149 = arith.constant 128 : i32
    %add3A_150 = arith.addi %mul3A_2, %add3A_149 : i32
    %dma_start3A_151 = arith.constant 1 : i32
    %dma_start3A_152 = arith.constant 0 : i32
    %dma_start3A_153 = arith.constant 0 : i32
    %dma_start3A_154 = tpu.memref_slice %arg6[%dma_start3A_151, %dma_start3A_152, %dma_start3A_153] : memref<7x128x128xi32, #tpu.memory_space<vmem>> -> memref<1x128x128xi32, #tpu.memory_space<vmem>>
    %dma_start3A_155 = tpu.memref_squeeze %dma_start3A_154 : memref<1x128x128xi32, #tpu.memory_space<vmem>> -> memref<128x128xi32, #tpu.memory_space<vmem>>
    %dma_start3A_156 = arith.constant 0 : i32
    %dma_start3A_157 = tpu.memref_slice %arg4[%add3A_150, %dma_start3A_156] : memref<32768x128xi32, #tpu.memory_space<hbm>> -> memref<128x128xi32, #tpu.memory_space<hbm>>
    %dma_start3A_158 = arith.constant 0 : i32
    %dma_start3A_159 = tpu.memref_slice %arg4[%add3A_150, %dma_start3A_158] : memref<32768x128xi32, #tpu.memory_space<hbm>> -> memref<128x128xi32, #tpu.memory_space<hbm>>
    %dma_start3A_160 = arith.constant 0 : i32
    %dma_start3A_161 = arith.constant 0 : i32
    %dma_start3A_162 = tpu.memref_slice %arg6[%dma_start3A_151, %dma_start3A_160, %dma_start3A_161] : memref<7x128x128xi32, #tpu.memory_space<vmem>> -> memref<1x128x128xi32, #tpu.memory_space<vmem>>
    %dma_start3A_163 = tpu.memref_squeeze %dma_start3A_162 : memref<1x128x128xi32, #tpu.memory_space<vmem>> -> memref<128x128xi32, #tpu.memory_space<vmem>>
    tpu.enqueue_dma source(%dma_start3A_163 : memref<128x128xi32, #tpu.memory_space<vmem>>) target(%dma_start3A_159 : memref<128x128xi32, #tpu.memory_space<hbm>>) target_semaphore(%arg8 : memref<!tpu.dma_semaphore, #tpu.memory_space<semaphore_mem>>)
    %dma_wait3A_164 = arith.constant 2 : i32
    %dma_wait3A_165 = arith.constant 2 : i32
    %dma_wait3A_166 = arith.constant 0 : i32
    %dma_wait3A_167 = arith.constant 0 : i32
    %dma_wait3A_168 = tpu.memref_slice %arg6[%dma_wait3A_165, %dma_wait3A_166, %dma_wait3A_167] : memref<7x128x128xi32, #tpu.memory_space<vmem>> -> memref<1x128x128xi32, #tpu.memory_space<vmem>>
    %dma_wait3A_169 = tpu.memref_squeeze %dma_wait3A_168 : memref<1x128x128xi32, #tpu.memory_space<vmem>> -> memref<128x128xi32, #tpu.memory_space<vmem>>
    %dma_wait3A_170 = arith.constant 0 : i32
    %dma_wait3A_171 = tpu.memref_slice %arg5[%dma_wait3A_164, %dma_wait3A_170] : memref<8x128xi32, #tpu.memory_space<vmem>> -> memref<1x128xi32, #tpu.memory_space<vmem>>
    %dma_wait3A_172 = tpu.memref_squeeze %dma_wait3A_171 : memref<1x128xi32, #tpu.memory_space<vmem>> -> memref<128xi32, #tpu.memory_space<vmem>>
    %dma_wait3A_173 = arith.constant 0 : i32
    %dma_wait3A_174 = arith.constant 0 : i32
    %dma_wait3A_175 = tpu.memref_slice %arg3[%dma_wait3A_173, %dma_wait3A_174] : memref<253952x128xi32, #tpu.memory_space<hbm>> -> memref<253952x128xi32, #tpu.memory_space<hbm>>
    tpu.wait_indirect_dma semaphore(%arg7 : memref<!tpu.dma_semaphore, #tpu.memory_space<semaphore_mem>>) src(%dma_wait3A_175 : memref<253952x128xi32, #tpu.memory_space<hbm>>) dst(%dma_wait3A_169 : memref<128x128xi32, #tpu.memory_space<vmem>>)
    %add3A_176 = arith.constant 256 : i32
    %add3A_177 = arith.addi %mul3A_2, %add3A_176 : i32
    %dma_start3A_178 = arith.constant 2 : i32
    %dma_start3A_179 = arith.constant 0 : i32
    %dma_start3A_180 = arith.constant 0 : i32
    %dma_start3A_181 = tpu.memref_slice %arg6[%dma_start3A_178, %dma_start3A_179, %dma_start3A_180] : memref<7x128x128xi32, #tpu.memory_space<vmem>> -> memref<1x128x128xi32, #tpu.memory_space<vmem>>
    %dma_start3A_182 = tpu.memref_squeeze %dma_start3A_181 : memref<1x128x128xi32, #tpu.memory_space<vmem>> -> memref<128x128xi32, #tpu.memory_space<vmem>>
    %dma_start3A_183 = arith.constant 0 : i32
    %dma_start3A_184 = tpu.memref_slice %arg4[%add3A_177, %dma_start3A_183] : memref<32768x128xi32, #tpu.memory_space<hbm>> -> memref<128x128xi32, #tpu.memory_space<hbm>>
    %dma_start3A_185 = arith.constant 0 : i32
    %dma_start3A_186 = tpu.memref_slice %arg4[%add3A_177, %dma_start3A_185] : memref<32768x128xi32, #tpu.memory_space<hbm>> -> memref<128x128xi32, #tpu.memory_space<hbm>>
    %dma_start3A_187 = arith.constant 0 : i32
    %dma_start3A_188 = arith.constant 0 : i32
    %dma_start3A_189 = tpu.memref_slice %arg6[%dma_start3A_178, %dma_start3A_187, %dma_start3A_188] : memref<7x128x128xi32, #tpu.memory_space<vmem>> -> memref<1x128x128xi32, #tpu.memory_space<vmem>>
    %dma_start3A_190 = tpu.memref_squeeze %dma_start3A_189 : memref<1x128x128xi32, #tpu.memory_space<vmem>> -> memref<128x128xi32, #tpu.memory_space<vmem>>
    tpu.enqueue_dma source(%dma_start3A_190 : memref<128x128xi32, #tpu.memory_space<vmem>>) target(%dma_start3A_186 : memref<128x128xi32, #tpu.memory_space<hbm>>) target_semaphore(%arg8 : memref<!tpu.dma_semaphore, #tpu.memory_space<semaphore_mem>>)
    %dma_wait3A_191 = arith.constant 3 : i32
    %dma_wait3A_192 = arith.constant 3 : i32
    %dma_wait3A_193 = arith.constant 0 : i32
    %dma_wait3A_194 = arith.constant 0 : i32
    %dma_wait3A_195 = tpu.memref_slice %arg6[%dma_wait3A_192, %dma_wait3A_193, %dma_wait3A_194] : memref<7x128x128xi32, #tpu.memory_space<vmem>> -> memref<1x128x128xi32, #tpu.memory_space<vmem>>
    %dma_wait3A_196 = tpu.memref_squeeze %dma_wait3A_195 : memref<1x128x128xi32, #tpu.memory_space<vmem>> -> memref<128x128xi32, #tpu.memory_space<vmem>>
    %dma_wait3A_197 = arith.constant 0 : i32
    %dma_wait3A_198 = tpu.memref_slice %arg5[%dma_wait3A_191, %dma_wait3A_197] : memref<8x128xi32, #tpu.memory_space<vmem>> -> memref<1x128xi32, #tpu.memory_space<vmem>>
    %dma_wait3A_199 = tpu.memref_squeeze %dma_wait3A_198 : memref<1x128xi32, #tpu.memory_space<vmem>> -> memref<128xi32, #tpu.memory_space<vmem>>
    %dma_wait3A_200 = arith.constant 0 : i32
    %dma_wait3A_201 = arith.constant 0 : i32
    %dma_wait3A_202 = tpu.memref_slice %arg3[%dma_wait3A_200, %dma_wait3A_201] : memref<253952x128xi32, #tpu.memory_space<hbm>> -> memref<253952x128xi32, #tpu.memory_space<hbm>>
    tpu.wait_indirect_dma semaphore(%arg7 : memref<!tpu.dma_semaphore, #tpu.memory_space<semaphore_mem>>) src(%dma_wait3A_202 : memref<253952x128xi32, #tpu.memory_space<hbm>>) dst(%dma_wait3A_196 : memref<128x128xi32, #tpu.memory_space<vmem>>)
    %add3A_203 = arith.constant 384 : i32
    %add3A_204 = arith.addi %mul3A_2, %add3A_203 : i32
    %dma_start3A_205 = arith.constant 3 : i32
    %dma_start3A_206 = arith.constant 0 : i32
    %dma_start3A_207 = arith.constant 0 : i32
    %dma_start3A_208 = tpu.memref_slice %arg6[%dma_start3A_205, %dma_start3A_206, %dma_start3A_207] : memref<7x128x128xi32, #tpu.memory_space<vmem>> -> memref<1x128x128xi32, #tpu.memory_space<vmem>>
    %dma_start3A_209 = tpu.memref_squeeze %dma_start3A_208 : memref<1x128x128xi32, #tpu.memory_space<vmem>> -> memref<128x128xi32, #tpu.memory_space<vmem>>
    %dma_start3A_210 = arith.constant 0 : i32
    %dma_start3A_211 = tpu.memref_slice %arg4[%add3A_204, %dma_start3A_210] : memref<32768x128xi32, #tpu.memory_space<hbm>> -> memref<128x128xi32, #tpu.memory_space<hbm>>
    %dma_start3A_212 = arith.constant 0 : i32
    %dma_start3A_213 = tpu.memref_slice %arg4[%add3A_204, %dma_start3A_212] : memref<32768x128xi32, #tpu.memory_space<hbm>> -> memref<128x128xi32, #tpu.memory_space<hbm>>
    %dma_start3A_214 = arith.constant 0 : i32
    %dma_start3A_215 = arith.constant 0 : i32
    %dma_start3A_216 = tpu.memref_slice %arg6[%dma_start3A_205, %dma_start3A_214, %dma_start3A_215] : memref<7x128x128xi32, #tpu.memory_space<vmem>> -> memref<1x128x128xi32, #tpu.memory_space<vmem>>
    %dma_start3A_217 = tpu.memref_squeeze %dma_start3A_216 : memref<1x128x128xi32, #tpu.memory_space<vmem>> -> memref<128x128xi32, #tpu.memory_space<vmem>>
    tpu.enqueue_dma source(%dma_start3A_217 : memref<128x128xi32, #tpu.memory_space<vmem>>) target(%dma_start3A_213 : memref<128x128xi32, #tpu.memory_space<hbm>>) target_semaphore(%arg8 : memref<!tpu.dma_semaphore, #tpu.memory_space<semaphore_mem>>)
    %dma_wait3A_218 = arith.constant 4 : i32
    %dma_wait3A_219 = arith.constant 4 : i32
    %dma_wait3A_220 = arith.constant 0 : i32
    %dma_wait3A_221 = arith.constant 0 : i32
    %dma_wait3A_222 = tpu.memref_slice %arg6[%dma_wait3A_219, %dma_wait3A_220, %dma_wait3A_221] : memref<7x128x128xi32, #tpu.memory_space<vmem>> -> memref<1x128x128xi32, #tpu.memory_space<vmem>>
    %dma_wait3A_223 = tpu.memref_squeeze %dma_wait3A_222 : memref<1x128x128xi32, #tpu.memory_space<vmem>> -> memref<128x128xi32, #tpu.memory_space<vmem>>
    %dma_wait3A_224 = arith.constant 0 : i32
    %dma_wait3A_225 = tpu.memref_slice %arg5[%dma_wait3A_218, %dma_wait3A_224] : memref<8x128xi32, #tpu.memory_space<vmem>> -> memref<1x128xi32, #tpu.memory_space<vmem>>
    %dma_wait3A_226 = tpu.memref_squeeze %dma_wait3A_225 : memref<1x128xi32, #tpu.memory_space<vmem>> -> memref<128xi32, #tpu.memory_space<vmem>>
    %dma_wait3A_227 = arith.constant 0 : i32
    %dma_wait3A_228 = arith.constant 0 : i32
    %dma_wait3A_229 = tpu.memref_slice %arg3[%dma_wait3A_227, %dma_wait3A_228] : memref<253952x128xi32, #tpu.memory_space<hbm>> -> memref<253952x128xi32, #tpu.memory_space<hbm>>
    tpu.wait_indirect_dma semaphore(%arg7 : memref<!tpu.dma_semaphore, #tpu.memory_space<semaphore_mem>>) src(%dma_wait3A_229 : memref<253952x128xi32, #tpu.memory_space<hbm>>) dst(%dma_wait3A_223 : memref<128x128xi32, #tpu.memory_space<vmem>>)
    %add3A_230 = arith.constant 512 : i32
    %add3A_231 = arith.addi %mul3A_2, %add3A_230 : i32
    %dma_start3A_232 = arith.constant 4 : i32
    %dma_start3A_233 = arith.constant 0 : i32
    %dma_start3A_234 = arith.constant 0 : i32
    %dma_start3A_235 = tpu.memref_slice %arg6[%dma_start3A_232, %dma_start3A_233, %dma_start3A_234] : memref<7x128x128xi32, #tpu.memory_space<vmem>> -> memref<1x128x128xi32, #tpu.memory_space<vmem>>
    %dma_start3A_236 = tpu.memref_squeeze %dma_start3A_235 : memref<1x128x128xi32, #tpu.memory_space<vmem>> -> memref<128x128xi32, #tpu.memory_space<vmem>>
    %dma_start3A_237 = arith.constant 0 : i32
    %dma_start3A_238 = tpu.memref_slice %arg4[%add3A_231, %dma_start3A_237] : memref<32768x128xi32, #tpu.memory_space<hbm>> -> memref<128x128xi32, #tpu.memory_space<hbm>>
    %dma_start3A_239 = arith.constant 0 : i32
    %dma_start3A_240 = tpu.memref_slice %arg4[%add3A_231, %dma_start3A_239] : memref<32768x128xi32, #tpu.memory_space<hbm>> -> memref<128x128xi32, #tpu.memory_space<hbm>>
    %dma_start3A_241 = arith.constant 0 : i32
    %dma_start3A_242 = arith.constant 0 : i32
    %dma_start3A_243 = tpu.memref_slice %arg6[%dma_start3A_232, %dma_start3A_241, %dma_start3A_242] : memref<7x128x128xi32, #tpu.memory_space<vmem>> -> memref<1x128x128xi32, #tpu.memory_space<vmem>>
    %dma_start3A_244 = tpu.memref_squeeze %dma_start3A_243 : memref<1x128x128xi32, #tpu.memory_space<vmem>> -> memref<128x128xi32, #tpu.memory_space<vmem>>
    tpu.enqueue_dma source(%dma_start3A_244 : memref<128x128xi32, #tpu.memory_space<vmem>>) target(%dma_start3A_240 : memref<128x128xi32, #tpu.memory_space<hbm>>) target_semaphore(%arg8 : memref<!tpu.dma_semaphore, #tpu.memory_space<semaphore_mem>>)
    %dma_wait3A_245 = arith.constant 5 : i32
    %dma_wait3A_246 = arith.constant 5 : i32
    %dma_wait3A_247 = arith.constant 0 : i32
    %dma_wait3A_248 = arith.constant 0 : i32
    %dma_wait3A_249 = tpu.memref_slice %arg6[%dma_wait3A_246, %dma_wait3A_247, %dma_wait3A_248] : memref<7x128x128xi32, #tpu.memory_space<vmem>> -> memref<1x128x128xi32, #tpu.memory_space<vmem>>
    %dma_wait3A_250 = tpu.memref_squeeze %dma_wait3A_249 : memref<1x128x128xi32, #tpu.memory_space<vmem>> -> memref<128x128xi32, #tpu.memory_space<vmem>>
    %dma_wait3A_251 = arith.constant 0 : i32
    %dma_wait3A_252 = tpu.memref_slice %arg5[%dma_wait3A_245, %dma_wait3A_251] : memref<8x128xi32, #tpu.memory_space<vmem>> -> memref<1x128xi32, #tpu.memory_space<vmem>>
    %dma_wait3A_253 = tpu.memref_squeeze %dma_wait3A_252 : memref<1x128xi32, #tpu.memory_space<vmem>> -> memref<128xi32, #tpu.memory_space<vmem>>
    %dma_wait3A_254 = arith.constant 0 : i32
    %dma_wait3A_255 = arith.constant 0 : i32
    %dma_wait3A_256 = tpu.memref_slice %arg3[%dma_wait3A_254, %dma_wait3A_255] : memref<253952x128xi32, #tpu.memory_space<hbm>> -> memref<253952x128xi32, #tpu.memory_space<hbm>>
    tpu.wait_indirect_dma semaphore(%arg7 : memref<!tpu.dma_semaphore, #tpu.memory_space<semaphore_mem>>) src(%dma_wait3A_256 : memref<253952x128xi32, #tpu.memory_space<hbm>>) dst(%dma_wait3A_250 : memref<128x128xi32, #tpu.memory_space<vmem>>)
    %add3A_257 = arith.constant 640 : i32
    %add3A_258 = arith.addi %mul3A_2, %add3A_257 : i32
    %dma_start3A_259 = arith.constant 5 : i32
    %dma_start3A_260 = arith.constant 0 : i32
    %dma_start3A_261 = arith.constant 0 : i32
    %dma_start3A_262 = tpu.memref_slice %arg6[%dma_start3A_259, %dma_start3A_260, %dma_start3A_261] : memref<7x128x128xi32, #tpu.memory_space<vmem>> -> memref<1x128x128xi32, #tpu.memory_space<vmem>>
    %dma_start3A_263 = tpu.memref_squeeze %dma_start3A_262 : memref<1x128x128xi32, #tpu.memory_space<vmem>> -> memref<128x128xi32, #tpu.memory_space<vmem>>
    %dma_start3A_264 = arith.constant 0 : i32
    %dma_start3A_265 = tpu.memref_slice %arg4[%add3A_258, %dma_start3A_264] : memref<32768x128xi32, #tpu.memory_space<hbm>> -> memref<128x128xi32, #tpu.memory_space<hbm>>
    %dma_start3A_266 = arith.constant 0 : i32
    %dma_start3A_267 = tpu.memref_slice %arg4[%add3A_258, %dma_start3A_266] : memref<32768x128xi32, #tpu.memory_space<hbm>> -> memref<128x128xi32, #tpu.memory_space<hbm>>
    %dma_start3A_268 = arith.constant 0 : i32
    %dma_start3A_269 = arith.constant 0 : i32
    %dma_start3A_270 = tpu.memref_slice %arg6[%dma_start3A_259, %dma_start3A_268, %dma_start3A_269] : memref<7x128x128xi32, #tpu.memory_space<vmem>> -> memref<1x128x128xi32, #tpu.memory_space<vmem>>
    %dma_start3A_271 = tpu.memref_squeeze %dma_start3A_270 : memref<1x128x128xi32, #tpu.memory_space<vmem>> -> memref<128x128xi32, #tpu.memory_space<vmem>>
    tpu.enqueue_dma source(%dma_start3A_271 : memref<128x128xi32, #tpu.memory_space<vmem>>) target(%dma_start3A_267 : memref<128x128xi32, #tpu.memory_space<hbm>>) target_semaphore(%arg8 : memref<!tpu.dma_semaphore, #tpu.memory_space<semaphore_mem>>)
    %dma_wait3A_272 = arith.constant 6 : i32
    %dma_wait3A_273 = arith.constant 6 : i32
    %dma_wait3A_274 = arith.constant 0 : i32
    %dma_wait3A_275 = arith.constant 0 : i32
    %dma_wait3A_276 = tpu.memref_slice %arg6[%dma_wait3A_273, %dma_wait3A_274, %dma_wait3A_275] : memref<7x128x128xi32, #tpu.memory_space<vmem>> -> memref<1x128x128xi32, #tpu.memory_space<vmem>>
    %dma_wait3A_277 = tpu.memref_squeeze %dma_wait3A_276 : memref<1x128x128xi32, #tpu.memory_space<vmem>> -> memref<128x128xi32, #tpu.memory_space<vmem>>
    %dma_wait3A_278 = arith.constant 0 : i32
    %dma_wait3A_279 = tpu.memref_slice %arg5[%dma_wait3A_272, %dma_wait3A_278] : memref<8x128xi32, #tpu.memory_space<vmem>> -> memref<1x128xi32, #tpu.memory_space<vmem>>
    %dma_wait3A_280 = tpu.memref_squeeze %dma_wait3A_279 : memref<1x128xi32, #tpu.memory_space<vmem>> -> memref<128xi32, #tpu.memory_space<vmem>>
    %dma_wait3A_281 = arith.constant 0 : i32
    %dma_wait3A_282 = arith.constant 0 : i32
    %dma_wait3A_283 = tpu.memref_slice %arg3[%dma_wait3A_281, %dma_wait3A_282] : memref<253952x128xi32, #tpu.memory_space<hbm>> -> memref<253952x128xi32, #tpu.memory_space<hbm>>
    tpu.wait_indirect_dma semaphore(%arg7 : memref<!tpu.dma_semaphore, #tpu.memory_space<semaphore_mem>>) src(%dma_wait3A_283 : memref<253952x128xi32, #tpu.memory_space<hbm>>) dst(%dma_wait3A_277 : memref<128x128xi32, #tpu.memory_space<vmem>>)
    %add3A_284 = arith.constant 768 : i32
    %add3A_285 = arith.addi %mul3A_2, %add3A_284 : i32
    %dma_start3A_286 = arith.constant 6 : i32
    %dma_start3A_287 = arith.constant 0 : i32
    %dma_start3A_288 = arith.constant 0 : i32
    %dma_start3A_289 = tpu.memref_slice %arg6[%dma_start3A_286, %dma_start3A_287, %dma_start3A_288] : memref<7x128x128xi32, #tpu.memory_space<vmem>> -> memref<1x128x128xi32, #tpu.memory_space<vmem>>
    %dma_start3A_290 = tpu.memref_squeeze %dma_start3A_289 : memref<1x128x128xi32, #tpu.memory_space<vmem>> -> memref<128x128xi32, #tpu.memory_space<vmem>>
    %dma_start3A_291 = arith.constant 0 : i32
    %dma_start3A_292 = tpu.memref_slice %arg4[%add3A_285, %dma_start3A_291] : memref<32768x128xi32, #tpu.memory_space<hbm>> -> memref<128x128xi32, #tpu.memory_space<hbm>>
    %dma_start3A_293 = arith.constant 0 : i32
    %dma_start3A_294 = tpu.memref_slice %arg4[%add3A_285, %dma_start3A_293] : memref<32768x128xi32, #tpu.memory_space<hbm>> -> memref<128x128xi32, #tpu.memory_space<hbm>>
    %dma_start3A_295 = arith.constant 0 : i32
    %dma_start3A_296 = arith.constant 0 : i32
    %dma_start3A_297 = tpu.memref_slice %arg6[%dma_start3A_286, %dma_start3A_295, %dma_start3A_296] : memref<7x128x128xi32, #tpu.memory_space<vmem>> -> memref<1x128x128xi32, #tpu.memory_space<vmem>>
    %dma_start3A_298 = tpu.memref_squeeze %dma_start3A_297 : memref<1x128x128xi32, #tpu.memory_space<vmem>> -> memref<128x128xi32, #tpu.memory_space<vmem>>
    tpu.enqueue_dma source(%dma_start3A_298 : memref<128x128xi32, #tpu.memory_space<vmem>>) target(%dma_start3A_294 : memref<128x128xi32, #tpu.memory_space<hbm>>) target_semaphore(%arg8 : memref<!tpu.dma_semaphore, #tpu.memory_space<semaphore_mem>>)
    %dma_wait3A_299 = arith.constant 7 : i32
    %dma_wait3A_300 = arith.constant 0 : i32
    %dma_wait3A_301 = arith.constant 0 : i32
    %dma_wait3A_302 = arith.constant 0 : i32
    %dma_wait3A_303 = tpu.memref_slice %arg6[%dma_wait3A_300, %dma_wait3A_301, %dma_wait3A_302] : memref<7x128x128xi32, #tpu.memory_space<vmem>> -> memref<1x128x128xi32, #tpu.memory_space<vmem>>
    %dma_wait3A_304 = tpu.memref_squeeze %dma_wait3A_303 : memref<1x128x128xi32, #tpu.memory_space<vmem>> -> memref<128x128xi32, #tpu.memory_space<vmem>>
    %dma_wait3A_305 = arith.constant 0 : i32
    %dma_wait3A_306 = tpu.memref_slice %arg5[%dma_wait3A_299, %dma_wait3A_305] : memref<8x128xi32, #tpu.memory_space<vmem>> -> memref<1x128xi32, #tpu.memory_space<vmem>>
    %dma_wait3A_307 = tpu.memref_squeeze %dma_wait3A_306 : memref<1x128xi32, #tpu.memory_space<vmem>> -> memref<128xi32, #tpu.memory_space<vmem>>
    %dma_wait3A_308 = arith.constant 0 : i32
    %dma_wait3A_309 = arith.constant 0 : i32
    %dma_wait3A_310 = tpu.memref_slice %arg3[%dma_wait3A_308, %dma_wait3A_309] : memref<253952x128xi32, #tpu.memory_space<hbm>> -> memref<253952x128xi32, #tpu.memory_space<hbm>>
    tpu.wait_indirect_dma semaphore(%arg7 : memref<!tpu.dma_semaphore, #tpu.memory_space<semaphore_mem>>) src(%dma_wait3A_310 : memref<253952x128xi32, #tpu.memory_space<hbm>>) dst(%dma_wait3A_304 : memref<128x128xi32, #tpu.memory_space<vmem>>)
    %add3A_311 = arith.constant 896 : i32
    %add3A_312 = arith.addi %mul3A_2, %add3A_311 : i32
    %dma_start3A_313 = arith.constant 0 : i32
    %dma_start3A_314 = arith.constant 0 : i32
    %dma_start3A_315 = arith.constant 0 : i32
    %dma_start3A_316 = tpu.memref_slice %arg6[%dma_start3A_313, %dma_start3A_314, %dma_start3A_315] : memref<7x128x128xi32, #tpu.memory_space<vmem>> -> memref<1x128x128xi32, #tpu.memory_space<vmem>>
    %dma_start3A_317 = tpu.memref_squeeze %dma_start3A_316 : memref<1x128x128xi32, #tpu.memory_space<vmem>> -> memref<128x128xi32, #tpu.memory_space<vmem>>
    %dma_start3A_318 = arith.constant 0 : i32
    %dma_start3A_319 = tpu.memref_slice %arg4[%add3A_312, %dma_start3A_318] : memref<32768x128xi32, #tpu.memory_space<hbm>> -> memref<128x128xi32, #tpu.memory_space<hbm>>
    %dma_start3A_320 = arith.constant 0 : i32
    %dma_start3A_321 = tpu.memref_slice %arg4[%add3A_312, %dma_start3A_320] : memref<32768x128xi32, #tpu.memory_space<hbm>> -> memref<128x128xi32, #tpu.memory_space<hbm>>
    %dma_start3A_322 = arith.constant 0 : i32
    %dma_start3A_323 = arith.constant 0 : i32
    %dma_start3A_324 = tpu.memref_slice %arg6[%dma_start3A_313, %dma_start3A_322, %dma_start3A_323] : memref<7x128x128xi32, #tpu.memory_space<vmem>> -> memref<1x128x128xi32, #tpu.memory_space<vmem>>
    %dma_start3A_325 = tpu.memref_squeeze %dma_start3A_324 : memref<1x128x128xi32, #tpu.memory_space<vmem>> -> memref<128x128xi32, #tpu.memory_space<vmem>>
    tpu.enqueue_dma source(%dma_start3A_325 : memref<128x128xi32, #tpu.memory_space<vmem>>) target(%dma_start3A_321 : memref<128x128xi32, #tpu.memory_space<hbm>>) target_semaphore(%arg8 : memref<!tpu.dma_semaphore, #tpu.memory_space<semaphore_mem>>)
    %dma_wait3A_326 = arith.constant 1 : i32
    %dma_wait3A_327 = arith.constant 0 : i32
    %dma_wait3A_328 = arith.constant 0 : i32
    %dma_wait3A_329 = tpu.memref_slice %arg6[%dma_wait3A_326, %dma_wait3A_327, %dma_wait3A_328] : memref<7x128x128xi32, #tpu.memory_space<vmem>> -> memref<1x128x128xi32, #tpu.memory_space<vmem>>
    %dma_wait3A_330 = tpu.memref_squeeze %dma_wait3A_329 : memref<1x128x128xi32, #tpu.memory_space<vmem>> -> memref<128x128xi32, #tpu.memory_space<vmem>>
    %dma_wait3A_331 = arith.constant 0 : i32
    %dma_wait3A_332 = tpu.memref_slice %arg4[%add3A_150, %dma_wait3A_331] : memref<32768x128xi32, #tpu.memory_space<hbm>> -> memref<128x128xi32, #tpu.memory_space<hbm>>
    %dma_wait3A_333 = arith.constant 0 : i32
    %dma_wait3A_334 = tpu.memref_slice %arg4[%add3A_150, %dma_wait3A_333] : memref<32768x128xi32, #tpu.memory_space<hbm>> -> memref<128x128xi32, #tpu.memory_space<hbm>>
    %dma_wait3A_335 = arith.constant 0 : i32
    %dma_wait3A_336 = arith.constant 0 : i32
    %dma_wait3A_337 = tpu.memref_slice %arg6[%dma_wait3A_326, %dma_wait3A_335, %dma_wait3A_336] : memref<7x128x128xi32, #tpu.memory_space<vmem>> -> memref<1x128x128xi32, #tpu.memory_space<vmem>>
    %dma_wait3A_338 = tpu.memref_squeeze %dma_wait3A_337 : memref<1x128x128xi32, #tpu.memory_space<vmem>> -> memref<128x128xi32, #tpu.memory_space<vmem>>
    tpu.wait_dma2 semaphore(%arg8 : memref<!tpu.dma_semaphore, #tpu.memory_space<semaphore_mem>>) src(%dma_wait3A_338 : memref<128x128xi32, #tpu.memory_space<vmem>>) dst(%dma_wait3A_334 : memref<128x128xi32, #tpu.memory_space<hbm>>)
    %dma_wait3A_339 = arith.constant 2 : i32
    %dma_wait3A_340 = arith.constant 0 : i32
    %dma_wait3A_341 = arith.constant 0 : i32
    %dma_wait3A_342 = tpu.memref_slice %arg6[%dma_wait3A_339, %dma_wait3A_340, %dma_wait3A_341] : memref<7x128x128xi32, #tpu.memory_space<vmem>> -> memref<1x128x128xi32, #tpu.memory_space<vmem>>
    %dma_wait3A_343 = tpu.memref_squeeze %dma_wait3A_342 : memref<1x128x128xi32, #tpu.memory_space<vmem>> -> memref<128x128xi32, #tpu.memory_space<vmem>>
    %dma_wait3A_344 = arith.constant 0 : i32
    %dma_wait3A_345 = tpu.memref_slice %arg4[%add3A_177, %dma_wait3A_344] : memref<32768x128xi32, #tpu.memory_space<hbm>> -> memref<128x128xi32, #tpu.memory_space<hbm>>
    %dma_wait3A_346 = arith.constant 0 : i32
    %dma_wait3A_347 = tpu.memref_slice %arg4[%add3A_177, %dma_wait3A_346] : memref<32768x128xi32, #tpu.memory_space<hbm>> -> memref<128x128xi32, #tpu.memory_space<hbm>>
    %dma_wait3A_348 = arith.constant 0 : i32
    %dma_wait3A_349 = arith.constant 0 : i32
    %dma_wait3A_350 = tpu.memref_slice %arg6[%dma_wait3A_339, %dma_wait3A_348, %dma_wait3A_349] : memref<7x128x128xi32, #tpu.memory_space<vmem>> -> memref<1x128x128xi32, #tpu.memory_space<vmem>>
    %dma_wait3A_351 = tpu.memref_squeeze %dma_wait3A_350 : memref<1x128x128xi32, #tpu.memory_space<vmem>> -> memref<128x128xi32, #tpu.memory_space<vmem>>
    tpu.wait_dma2 semaphore(%arg8 : memref<!tpu.dma_semaphore, #tpu.memory_space<semaphore_mem>>) src(%dma_wait3A_351 : memref<128x128xi32, #tpu.memory_space<vmem>>) dst(%dma_wait3A_347 : memref<128x128xi32, #tpu.memory_space<hbm>>)
    %dma_wait3A_352 = arith.constant 3 : i32
    %dma_wait3A_353 = arith.constant 0 : i32
    %dma_wait3A_354 = arith.constant 0 : i32
    %dma_wait3A_355 = tpu.memref_slice %arg6[%dma_wait3A_352, %dma_wait3A_353, %dma_wait3A_354] : memref<7x128x128xi32, #tpu.memory_space<vmem>> -> memref<1x128x128xi32, #tpu.memory_space<vmem>>
    %dma_wait3A_356 = tpu.memref_squeeze %dma_wait3A_355 : memref<1x128x128xi32, #tpu.memory_space<vmem>> -> memref<128x128xi32, #tpu.memory_space<vmem>>
    %dma_wait3A_357 = arith.constant 0 : i32
    %dma_wait3A_358 = tpu.memref_slice %arg4[%add3A_204, %dma_wait3A_357] : memref<32768x128xi32, #tpu.memory_space<hbm>> -> memref<128x128xi32, #tpu.memory_space<hbm>>
    %dma_wait3A_359 = arith.constant 0 : i32
    %dma_wait3A_360 = tpu.memref_slice %arg4[%add3A_204, %dma_wait3A_359] : memref<32768x128xi32, #tpu.memory_space<hbm>> -> memref<128x128xi32, #tpu.memory_space<hbm>>
    %dma_wait3A_361 = arith.constant 0 : i32
    %dma_wait3A_362 = arith.constant 0 : i32
    %dma_wait3A_363 = tpu.memref_slice %arg6[%dma_wait3A_352, %dma_wait3A_361, %dma_wait3A_362] : memref<7x128x128xi32, #tpu.memory_space<vmem>> -> memref<1x128x128xi32, #tpu.memory_space<vmem>>
    %dma_wait3A_364 = tpu.memref_squeeze %dma_wait3A_363 : memref<1x128x128xi32, #tpu.memory_space<vmem>> -> memref<128x128xi32, #tpu.memory_space<vmem>>
    tpu.wait_dma2 semaphore(%arg8 : memref<!tpu.dma_semaphore, #tpu.memory_space<semaphore_mem>>) src(%dma_wait3A_364 : memref<128x128xi32, #tpu.memory_space<vmem>>) dst(%dma_wait3A_360 : memref<128x128xi32, #tpu.memory_space<hbm>>)
    %dma_wait3A_365 = arith.constant 4 : i32
    %dma_wait3A_366 = arith.constant 0 : i32
    %dma_wait3A_367 = arith.constant 0 : i32
    %dma_wait3A_368 = tpu.memref_slice %arg6[%dma_wait3A_365, %dma_wait3A_366, %dma_wait3A_367] : memref<7x128x128xi32, #tpu.memory_space<vmem>> -> memref<1x128x128xi32, #tpu.memory_space<vmem>>
    %dma_wait3A_369 = tpu.memref_squeeze %dma_wait3A_368 : memref<1x128x128xi32, #tpu.memory_space<vmem>> -> memref<128x128xi32, #tpu.memory_space<vmem>>
    %dma_wait3A_370 = arith.constant 0 : i32
    %dma_wait3A_371 = tpu.memref_slice %arg4[%add3A_231, %dma_wait3A_370] : memref<32768x128xi32, #tpu.memory_space<hbm>> -> memref<128x128xi32, #tpu.memory_space<hbm>>
    %dma_wait3A_372 = arith.constant 0 : i32
    %dma_wait3A_373 = tpu.memref_slice %arg4[%add3A_231, %dma_wait3A_372] : memref<32768x128xi32, #tpu.memory_space<hbm>> -> memref<128x128xi32, #tpu.memory_space<hbm>>
    %dma_wait3A_374 = arith.constant 0 : i32
    %dma_wait3A_375 = arith.constant 0 : i32
    %dma_wait3A_376 = tpu.memref_slice %arg6[%dma_wait3A_365, %dma_wait3A_374, %dma_wait3A_375] : memref<7x128x128xi32, #tpu.memory_space<vmem>> -> memref<1x128x128xi32, #tpu.memory_space<vmem>>
    %dma_wait3A_377 = tpu.memref_squeeze %dma_wait3A_376 : memref<1x128x128xi32, #tpu.memory_space<vmem>> -> memref<128x128xi32, #tpu.memory_space<vmem>>
    tpu.wait_dma2 semaphore(%arg8 : memref<!tpu.dma_semaphore, #tpu.memory_space<semaphore_mem>>) src(%dma_wait3A_377 : memref<128x128xi32, #tpu.memory_space<vmem>>) dst(%dma_wait3A_373 : memref<128x128xi32, #tpu.memory_space<hbm>>)
    %dma_wait3A_378 = arith.constant 5 : i32
    %dma_wait3A_379 = arith.constant 0 : i32
    %dma_wait3A_380 = arith.constant 0 : i32
    %dma_wait3A_381 = tpu.memref_slice %arg6[%dma_wait3A_378, %dma_wait3A_379, %dma_wait3A_380] : memref<7x128x128xi32, #tpu.memory_space<vmem>> -> memref<1x128x128xi32, #tpu.memory_space<vmem>>
    %dma_wait3A_382 = tpu.memref_squeeze %dma_wait3A_381 : memref<1x128x128xi32, #tpu.memory_space<vmem>> -> memref<128x128xi32, #tpu.memory_space<vmem>>
    %dma_wait3A_383 = arith.constant 0 : i32
    %dma_wait3A_384 = tpu.memref_slice %arg4[%add3A_258, %dma_wait3A_383] : memref<32768x128xi32, #tpu.memory_space<hbm>> -> memref<128x128xi32, #tpu.memory_space<hbm>>
    %dma_wait3A_385 = arith.constant 0 : i32
    %dma_wait3A_386 = tpu.memref_slice %arg4[%add3A_258, %dma_wait3A_385] : memref<32768x128xi32, #tpu.memory_space<hbm>> -> memref<128x128xi32, #tpu.memory_space<hbm>>
    %dma_wait3A_387 = arith.constant 0 : i32
    %dma_wait3A_388 = arith.constant 0 : i32
    %dma_wait3A_389 = tpu.memref_slice %arg6[%dma_wait3A_378, %dma_wait3A_387, %dma_wait3A_388] : memref<7x128x128xi32, #tpu.memory_space<vmem>> -> memref<1x128x128xi32, #tpu.memory_space<vmem>>
    %dma_wait3A_390 = tpu.memref_squeeze %dma_wait3A_389 : memref<1x128x128xi32, #tpu.memory_space<vmem>> -> memref<128x128xi32, #tpu.memory_space<vmem>>
    tpu.wait_dma2 semaphore(%arg8 : memref<!tpu.dma_semaphore, #tpu.memory_space<semaphore_mem>>) src(%dma_wait3A_390 : memref<128x128xi32, #tpu.memory_space<vmem>>) dst(%dma_wait3A_386 : memref<128x128xi32, #tpu.memory_space<hbm>>)
    %dma_wait3A_391 = arith.constant 6 : i32
    %dma_wait3A_392 = arith.constant 0 : i32
    %dma_wait3A_393 = arith.constant 0 : i32
    %dma_wait3A_394 = tpu.memref_slice %arg6[%dma_wait3A_391, %dma_wait3A_392, %dma_wait3A_393] : memref<7x128x128xi32, #tpu.memory_space<vmem>> -> memref<1x128x128xi32, #tpu.memory_space<vmem>>
    %dma_wait3A_395 = tpu.memref_squeeze %dma_wait3A_394 : memref<1x128x128xi32, #tpu.memory_space<vmem>> -> memref<128x128xi32, #tpu.memory_space<vmem>>
    %dma_wait3A_396 = arith.constant 0 : i32
    %dma_wait3A_397 = tpu.memref_slice %arg4[%add3A_285, %dma_wait3A_396] : memref<32768x128xi32, #tpu.memory_space<hbm>> -> memref<128x128xi32, #tpu.memory_space<hbm>>
    %dma_wait3A_398 = arith.constant 0 : i32
    %dma_wait3A_399 = tpu.memref_slice %arg4[%add3A_285, %dma_wait3A_398] : memref<32768x128xi32, #tpu.memory_space<hbm>> -> memref<128x128xi32, #tpu.memory_space<hbm>>
    %dma_wait3A_400 = arith.constant 0 : i32
    %dma_wait3A_401 = arith.constant 0 : i32
    %dma_wait3A_402 = tpu.memref_slice %arg6[%dma_wait3A_391, %dma_wait3A_400, %dma_wait3A_401] : memref<7x128x128xi32, #tpu.memory_space<vmem>> -> memref<1x128x128xi32, #tpu.memory_space<vmem>>
    %dma_wait3A_403 = tpu.memref_squeeze %dma_wait3A_402 : memref<1x128x128xi32, #tpu.memory_space<vmem>> -> memref<128x128xi32, #tpu.memory_space<vmem>>
    tpu.wait_dma2 semaphore(%arg8 : memref<!tpu.dma_semaphore, #tpu.memory_space<semaphore_mem>>) src(%dma_wait3A_403 : memref<128x128xi32, #tpu.memory_space<vmem>>) dst(%dma_wait3A_399 : memref<128x128xi32, #tpu.memory_space<hbm>>)
    %dma_wait3A_404 = arith.constant 0 : i32
    %dma_wait3A_405 = arith.constant 0 : i32
    %dma_wait3A_406 = arith.constant 0 : i32
    %dma_wait3A_407 = tpu.memref_slice %arg6[%dma_wait3A_404, %dma_wait3A_405, %dma_wait3A_406] : memref<7x128x128xi32, #tpu.memory_space<vmem>> -> memref<1x128x128xi32, #tpu.memory_space<vmem>>
    %dma_wait3A_408 = tpu.memref_squeeze %dma_wait3A_407 : memref<1x128x128xi32, #tpu.memory_space<vmem>> -> memref<128x128xi32, #tpu.memory_space<vmem>>
    %dma_wait3A_409 = arith.constant 0 : i32
    %dma_wait3A_410 = tpu.memref_slice %arg4[%add3A_312, %dma_wait3A_409] : memref<32768x128xi32, #tpu.memory_space<hbm>> -> memref<128x128xi32, #tpu.memory_space<hbm>>
    %dma_wait3A_411 = arith.constant 0 : i32
    %dma_wait3A_412 = tpu.memref_slice %arg4[%add3A_312, %dma_wait3A_411] : memref<32768x128xi32, #tpu.memory_space<hbm>> -> memref<128x128xi32, #tpu.memory_space<hbm>>
    %dma_wait3A_413 = arith.constant 0 : i32
    %dma_wait3A_414 = arith.constant 0 : i32
    %dma_wait3A_415 = tpu.memref_slice %arg6[%dma_wait3A_404, %dma_wait3A_413, %dma_wait3A_414] : memref<7x128x128xi32, #tpu.memory_space<vmem>> -> memref<1x128x128xi32, #tpu.memory_space<vmem>>
    %dma_wait3A_416 = tpu.memref_squeeze %dma_wait3A_415 : memref<1x128x128xi32, #tpu.memory_space<vmem>> -> memref<128x128xi32, #tpu.memory_space<vmem>>
    tpu.wait_dma2 semaphore(%arg8 : memref<!tpu.dma_semaphore, #tpu.memory_space<semaphore_mem>>) src(%dma_wait3A_416 : memref<128x128xi32, #tpu.memory_space<vmem>>) dst(%dma_wait3A_412 : memref<128x128xi32, #tpu.memory_space<hbm>>)
    return
  }
}

module attributes {stable_mosaic.version = 14 : i64} {
  func.func @_pack_body(%arg0: i32, %arg1: memref<64x32768xf32, #tpu.memory_space<vmem>>, %arg2: memref<64x64xf32, #tpu.memory_space<vmem>>, %arg3: memref<8192x128xi32, #tpu.memory_space<vmem>>) attributes {dimension_semantics = [#tpu.dimension_semantics<arbitrary>], iteration_bounds = array<i64: 31>, scalar_prefetch = 0 : i64, scratch_operands = 0 : i64, tpu.core_type = #tpu.core_type<tc>, window_params = [{transform_indices = @transform_0, window_bounds = array<i64: 64, 32768>}, {pipeline_mode = #tpu.pipeline_mode<synchronous>, transform_indices = @transform_1, window_bounds = array<i64: 64, 64>}, {transform_indices = @transform_2, window_bounds = array<i64: 8192, 128>}]} {
    %get3A = arith.constant 0 : index
    %get3A_0 = arith.constant 0 : index
    %get3A_1 = vector.load %arg1[%get3A, %get3A_0] : memref<64x32768xf32, #tpu.memory_space<vmem>>, vector<64x32768xf32>
    %get3A_2 = arith.constant 0 : index
    %get3A_3 = arith.constant 0 : index
    %get3A_4 = vector.load %arg2[%get3A_2, %get3A_3] : memref<64x64xf32, #tpu.memory_space<vmem>>, vector<64x64xf32>
    %dot_general3A = arith.constant dense<0.000000e+00> : vector<32768x64xf32>
    %dot_general3A_5 = tpu.matmul %get3A_1, %get3A_4, %dot_general3A {dimension_numbers = #tpu.dot_dimension_numbers<[0], [0], [1], [1], [0, 1, 1, 1], [], []>, transpose_lhs_hint = false} : vector<64x32768xf32>, vector<64x64xf32>, vector<32768x64xf32> -> vector<32768x64xf32>
    %bitcast_convert_type3A = tpu.bitcast %dot_general3A_5 : vector<32768x64xf32> -> vector<32768x64xi32>
    %slice3A = vector.extract_strided_slice %bitcast_convert_type3A {offsets = [0, 0], sizes = [8192, 64], strides = [1, 1]} : vector<32768x64xi32> to vector<8192x64xi32>
    %add3A = arith.constant 32767 : i32
    %add3A_6 = vector.broadcast %add3A : i32 to vector<8192x64xi32>
    %add3A_7 = arith.addi %slice3A, %add3A_6 : vector<8192x64xi32>
    %shift_right_logical3A = arith.constant 16 : i32
    %shift_right_logical3A_8 = vector.broadcast %shift_right_logical3A : i32 to vector<8192x64xi32>
    %shift_right_logical3A_9 = arith.shrui %slice3A, %shift_right_logical3A_8 : vector<8192x64xi32>
    %and3A = arith.constant 1 : i32
    %and3A_10 = vector.broadcast %and3A : i32 to vector<8192x64xi32>
    %and3A_11 = arith.andi %shift_right_logical3A_9, %and3A_10 : vector<8192x64xi32>
    %add3A_12 = arith.addi %add3A_7, %and3A_11 : vector<8192x64xi32>
    %shift_right_logical3A_13 = arith.constant 16 : i32
    %shift_right_logical3A_14 = vector.broadcast %shift_right_logical3A_13 : i32 to vector<8192x64xi32>
    %shift_right_logical3A_15 = arith.shrui %add3A_12, %shift_right_logical3A_14 : vector<8192x64xi32>
    %slice3A_16 = vector.extract_strided_slice %bitcast_convert_type3A {offsets = [8192, 0], sizes = [8192, 64], strides = [1, 1]} : vector<32768x64xi32> to vector<8192x64xi32>
    %add3A_17 = arith.constant 32767 : i32
    %add3A_18 = vector.broadcast %add3A_17 : i32 to vector<8192x64xi32>
    %add3A_19 = arith.addi %slice3A_16, %add3A_18 : vector<8192x64xi32>
    %shift_right_logical3A_20 = arith.constant 16 : i32
    %shift_right_logical3A_21 = vector.broadcast %shift_right_logical3A_20 : i32 to vector<8192x64xi32>
    %shift_right_logical3A_22 = arith.shrui %slice3A_16, %shift_right_logical3A_21 : vector<8192x64xi32>
    %and3A_23 = arith.constant 1 : i32
    %and3A_24 = vector.broadcast %and3A_23 : i32 to vector<8192x64xi32>
    %and3A_25 = arith.andi %shift_right_logical3A_22, %and3A_24 : vector<8192x64xi32>
    %add3A_26 = arith.addi %add3A_19, %and3A_25 : vector<8192x64xi32>
    %shift_right_logical3A_27 = arith.constant 16 : i32
    %shift_right_logical3A_28 = vector.broadcast %shift_right_logical3A_27 : i32 to vector<8192x64xi32>
    %shift_right_logical3A_29 = arith.shrui %add3A_26, %shift_right_logical3A_28 : vector<8192x64xi32>
    %shift_left3A = arith.constant 16 : i32
    %shift_left3A_30 = vector.broadcast %shift_left3A : i32 to vector<8192x64xi32>
    %shift_left3A_31 = arith.shli %shift_right_logical3A_29, %shift_left3A_30 : vector<8192x64xi32>
    %or3A = arith.ori %shift_right_logical3A_15, %shift_left3A_31 : vector<8192x64xi32>
    %slice3A_32 = vector.extract_strided_slice %bitcast_convert_type3A {offsets = [16384, 0], sizes = [8192, 64], strides = [1, 1]} : vector<32768x64xi32> to vector<8192x64xi32>
    %add3A_33 = arith.constant 32767 : i32
    %add3A_34 = vector.broadcast %add3A_33 : i32 to vector<8192x64xi32>
    %add3A_35 = arith.addi %slice3A_32, %add3A_34 : vector<8192x64xi32>
    %shift_right_logical3A_36 = arith.constant 16 : i32
    %shift_right_logical3A_37 = vector.broadcast %shift_right_logical3A_36 : i32 to vector<8192x64xi32>
    %shift_right_logical3A_38 = arith.shrui %slice3A_32, %shift_right_logical3A_37 : vector<8192x64xi32>
    %and3A_39 = arith.constant 1 : i32
    %and3A_40 = vector.broadcast %and3A_39 : i32 to vector<8192x64xi32>
    %and3A_41 = arith.andi %shift_right_logical3A_38, %and3A_40 : vector<8192x64xi32>
    %add3A_42 = arith.addi %add3A_35, %and3A_41 : vector<8192x64xi32>
    %shift_right_logical3A_43 = arith.constant 16 : i32
    %shift_right_logical3A_44 = vector.broadcast %shift_right_logical3A_43 : i32 to vector<8192x64xi32>
    %shift_right_logical3A_45 = arith.shrui %add3A_42, %shift_right_logical3A_44 : vector<8192x64xi32>
    %slice3A_46 = vector.extract_strided_slice %bitcast_convert_type3A {offsets = [24576, 0], sizes = [8192, 64], strides = [1, 1]} : vector<32768x64xi32> to vector<8192x64xi32>
    %add3A_47 = arith.constant 32767 : i32
    %add3A_48 = vector.broadcast %add3A_47 : i32 to vector<8192x64xi32>
    %add3A_49 = arith.addi %slice3A_46, %add3A_48 : vector<8192x64xi32>
    %shift_right_logical3A_50 = arith.constant 16 : i32
    %shift_right_logical3A_51 = vector.broadcast %shift_right_logical3A_50 : i32 to vector<8192x64xi32>
    %shift_right_logical3A_52 = arith.shrui %slice3A_46, %shift_right_logical3A_51 : vector<8192x64xi32>
    %and3A_53 = arith.constant 1 : i32
    %and3A_54 = vector.broadcast %and3A_53 : i32 to vector<8192x64xi32>
    %and3A_55 = arith.andi %shift_right_logical3A_52, %and3A_54 : vector<8192x64xi32>
    %add3A_56 = arith.addi %add3A_49, %and3A_55 : vector<8192x64xi32>
    %shift_right_logical3A_57 = arith.constant 16 : i32
    %shift_right_logical3A_58 = vector.broadcast %shift_right_logical3A_57 : i32 to vector<8192x64xi32>
    %shift_right_logical3A_59 = arith.shrui %add3A_56, %shift_right_logical3A_58 : vector<8192x64xi32>
    %shift_left3A_60 = arith.constant 16 : i32
    %shift_left3A_61 = vector.broadcast %shift_left3A_60 : i32 to vector<8192x64xi32>
    %shift_left3A_62 = arith.shli %shift_right_logical3A_59, %shift_left3A_61 : vector<8192x64xi32>
    %or3A_63 = arith.ori %shift_right_logical3A_45, %shift_left3A_62 : vector<8192x64xi32>
    %concatenate3A = tpu.concatenate %or3A, %or3A_63 in 1 : vector<8192x64xi32>, vector<8192x64xi32> -> vector<8192x128xi32>
    %bitcast_convert_type3A_64 = tpu.bitcast %concatenate3A : vector<8192x128xi32> -> vector<8192x128xi32>
    %swap3A = arith.constant 0 : index
    %swap3A_65 = arith.constant 0 : index
    %swap3A_66 = vector.load %arg3[%swap3A, %swap3A_65] : memref<8192x128xi32, #tpu.memory_space<vmem>>, vector<8192x128xi32>
    tpu.vector_store %arg3[%swap3A, %swap3A_65], %bitcast_convert_type3A_64 {strides = array<i32>} : memref<8192x128xi32, #tpu.memory_space<vmem>>, vector<8192x128xi32>,
    return
  }
  func.func @transform_0(%arg0: i32) -> (i32, i32) {
    %c0_i32 = arith.constant 0 : i32
    %c0_i32_0 = arith.constant 0 : i32
    return %c0_i32, %arg0 : i32, i32
  }
  func.func @transform_1(%arg0: i32) -> (i32, i32) {
    %c0_i32 = arith.constant 0 : i32
    %c0_i32_0 = arith.constant 0 : i32
    %c0_i32_1 = arith.constant 0 : i32
    return %c0_i32, %c0_i32_0 : i32, i32
  }
  func.func @transform_2(%arg0: i32) -> (i32, i32) {
    %c0_i32 = arith.constant 0 : i32
    %c0_i32_0 = arith.constant 0 : i32
    return %arg0, %c0_i32 : i32, i32
  }
}

module attributes {stable_mosaic.version = 14 : i64} {
  func.func @_mlp_body(%arg0: i32, %arg1: memref<2048x128xi32, #tpu.memory_space<vmem>>, %arg2: memref<2048x128xi32, #tpu.memory_space<vmem>>, %arg3: memref<2048x2xi32, #tpu.memory_space<vmem>>, %arg4: memref<128x128xf32, #tpu.memory_space<vmem>>, %arg5: memref<1x128xf32, #tpu.memory_space<vmem>>, %arg6: memref<1x128xf32, #tpu.memory_space<vmem>>, %arg7: memref<1x1xf32, #tpu.memory_space<smem>>, %arg8: memref<2048x1xf32, #tpu.memory_space<vmem>>) attributes {dimension_semantics = [#tpu.dimension_semantics<arbitrary>], iteration_bounds = array<i64: 8>, scalar_prefetch = 0 : i64, scratch_operands = 0 : i64, tpu.core_type = #tpu.core_type<tc>, window_params = [{transform_indices = @transform_0, window_bounds = array<i64: 2048, 128>}, {transform_indices = @transform_1, window_bounds = array<i64: 2048, 128>}, {transform_indices = @transform_2, window_bounds = array<i64: 2048, 2>}, {pipeline_mode = #tpu.pipeline_mode<synchronous>, transform_indices = @transform_3, window_bounds = array<i64: 128, 128>}, {pipeline_mode = #tpu.pipeline_mode<synchronous>, transform_indices = @transform_4, window_bounds = array<i64: 1, 128>}, {pipeline_mode = #tpu.pipeline_mode<synchronous>, transform_indices = @transform_5, window_bounds = array<i64: 1, 128>}, {transform_indices = @transform_6, window_bounds = array<i64: 1, 1>}, {transform_indices = @transform_7, window_bounds = array<i64: 2048, 1>}]} {
    %get3A = arith.constant 0 : index
    %get3A_0 = arith.constant 0 : index
    %get3A_1 = vector.load %arg3[%get3A, %get3A_0] : memref<2048x2xi32, #tpu.memory_space<vmem>>, vector<2048x2xi32>
    %get3A_2 = arith.constant 0 : index
    %get3A_3 = arith.constant 0 : index
    %get3A_4 = vector.load %arg1[%get3A_2, %get3A_3] : memref<2048x128xi32, #tpu.memory_space<vmem>>, vector<2048x128xi32>
    %slice3A = vector.extract_strided_slice %get3A_1 {offsets = [0, 0], sizes = [2048, 1], strides = [1, 1]} : vector<2048x2xi32> to vector<2048x1xi32>
    %and3A = arith.constant 2 : i32
    %and3A_5 = vector.broadcast %and3A : i32 to vector<2048x1xi32>
    %and3A_6 = arith.andi %slice3A, %and3A_5 : vector<2048x1xi32>
    %eq3A = arith.constant 2 : i32
    %eq3A_7 = vector.broadcast %eq3A : i32 to vector<2048x1xi32>
    %eq3A_8 = arith.cmpi eq, %and3A_6, %eq3A_7 : vector<2048x1xi32>
    %slice3A_9 = vector.extract_strided_slice %get3A_4 {offsets = [0, 64], sizes = [2048, 64], strides = [1, 1]} : vector<2048x128xi32> to vector<2048x64xi32>
    %slice3A_10 = vector.extract_strided_slice %get3A_4 {offsets = [0, 0], sizes = [2048, 64], strides = [1, 1]} : vector<2048x128xi32> to vector<2048x64xi32>
    %broadcast_in_dim3A = vector.shape_cast %eq3A_8 : vector<2048x1xi1> to vector<2048x1xi1>
    %broadcast_in_dim3A_11 = vector.broadcast %broadcast_in_dim3A : vector<2048x1xi1> to vector<2048x64xi1>
    %select_n3A = arith.select %broadcast_in_dim3A_11, %slice3A_9, %slice3A_10 : vector<2048x64xi1>, vector<2048x64xi32>
    %and3A_12 = arith.constant 1 : i32
    %and3A_13 = vector.broadcast %and3A_12 : i32 to vector<2048x1xi32>
    %and3A_14 = arith.andi %slice3A, %and3A_13 : vector<2048x1xi32>
    %eq3A_15 = arith.constant 1 : i32
    %eq3A_16 = vector.broadcast %eq3A_15 : i32 to vector<2048x1xi32>
    %eq3A_17 = arith.cmpi eq, %and3A_14, %eq3A_16 : vector<2048x1xi32>
    %shift_right_arithmetic3A = arith.constant 16 : i32
    %shift_right_arithmetic3A_18 = vector.broadcast %shift_right_arithmetic3A : i32 to vector<2048x64xi32>
    %shift_right_arithmetic3A_19 = arith.shrsi %select_n3A, %shift_right_arithmetic3A_18 : vector<2048x64xi32>
    %and3A_20 = arith.constant 65535 : i32
    %and3A_21 = vector.broadcast %and3A_20 : i32 to vector<2048x64xi32>
    %and3A_22 = arith.andi %shift_right_arithmetic3A_19, %and3A_21 : vector<2048x64xi32>
    %and3A_23 = arith.constant 65535 : i32
    %and3A_24 = vector.broadcast %and3A_23 : i32 to vector<2048x64xi32>
    %and3A_25 = arith.andi %select_n3A, %and3A_24 : vector<2048x64xi32>
    %broadcast_in_dim3A_26 = vector.shape_cast %eq3A_17 : vector<2048x1xi1> to vector<2048x1xi1>
    %broadcast_in_dim3A_27 = vector.broadcast %broadcast_in_dim3A_26 : vector<2048x1xi1> to vector<2048x64xi1>
    %select_n3A_28 = arith.select %broadcast_in_dim3A_27, %and3A_22, %and3A_25 : vector<2048x64xi1>, vector<2048x64xi32>
    %shift_left3A = arith.constant 16 : i32
    %shift_left3A_29 = vector.broadcast %shift_left3A : i32 to vector<2048x64xi32>
    %shift_left3A_30 = arith.shli %select_n3A_28, %shift_left3A_29 : vector<2048x64xi32>
    %bitcast_convert_type3A = tpu.bitcast %shift_left3A_30 : vector<2048x64xi32> -> vector<2048x64xf32>
    %get3A_31 = arith.constant 0 : index
    %get3A_32 = arith.constant 0 : index
    %get3A_33 = vector.load %arg2[%get3A_31, %get3A_32] : memref<2048x128xi32, #tpu.memory_space<vmem>>, vector<2048x128xi32>
    %slice3A_34 = vector.extract_strided_slice %get3A_1 {offsets = [0, 1], sizes = [2048, 1], strides = [1, 1]} : vector<2048x2xi32> to vector<2048x1xi32>
    %and3A_35 = arith.constant 2 : i32
    %and3A_36 = vector.broadcast %and3A_35 : i32 to vector<2048x1xi32>
    %and3A_37 = arith.andi %slice3A_34, %and3A_36 : vector<2048x1xi32>
    %eq3A_38 = arith.constant 2 : i32
    %eq3A_39 = vector.broadcast %eq3A_38 : i32 to vector<2048x1xi32>
    %eq3A_40 = arith.cmpi eq, %and3A_37, %eq3A_39 : vector<2048x1xi32>
    %slice3A_41 = vector.extract_strided_slice %get3A_33 {offsets = [0, 64], sizes = [2048, 64], strides = [1, 1]} : vector<2048x128xi32> to vector<2048x64xi32>
    %slice3A_42 = vector.extract_strided_slice %get3A_33 {offsets = [0, 0], sizes = [2048, 64], strides = [1, 1]} : vector<2048x128xi32> to vector<2048x64xi32>
    %broadcast_in_dim3A_43 = vector.shape_cast %eq3A_40 : vector<2048x1xi1> to vector<2048x1xi1>
    %broadcast_in_dim3A_44 = vector.broadcast %broadcast_in_dim3A_43 : vector<2048x1xi1> to vector<2048x64xi1>
    %select_n3A_45 = arith.select %broadcast_in_dim3A_44, %slice3A_41, %slice3A_42 : vector<2048x64xi1>, vector<2048x64xi32>
    %and3A_46 = arith.constant 1 : i32
    %and3A_47 = vector.broadcast %and3A_46 : i32 to vector<2048x1xi32>
    %and3A_48 = arith.andi %slice3A_34, %and3A_47 : vector<2048x1xi32>
    %eq3A_49 = arith.constant 1 : i32
    %eq3A_50 = vector.broadcast %eq3A_49 : i32 to vector<2048x1xi32>
    %eq3A_51 = arith.cmpi eq, %and3A_48, %eq3A_50 : vector<2048x1xi32>
    %shift_right_arithmetic3A_52 = arith.constant 16 : i32
    %shift_right_arithmetic3A_53 = vector.broadcast %shift_right_arithmetic3A_52 : i32 to vector<2048x64xi32>
    %shift_right_arithmetic3A_54 = arith.shrsi %select_n3A_45, %shift_right_arithmetic3A_53 : vector<2048x64xi32>
    %and3A_55 = arith.constant 65535 : i32
    %and3A_56 = vector.broadcast %and3A_55 : i32 to vector<2048x64xi32>
    %and3A_57 = arith.andi %shift_right_arithmetic3A_54, %and3A_56 : vector<2048x64xi32>
    %and3A_58 = arith.constant 65535 : i32
    %and3A_59 = vector.broadcast %and3A_58 : i32 to vector<2048x64xi32>
    %and3A_60 = arith.andi %select_n3A_45, %and3A_59 : vector<2048x64xi32>
    %broadcast_in_dim3A_61 = vector.shape_cast %eq3A_51 : vector<2048x1xi1> to vector<2048x1xi1>
    %broadcast_in_dim3A_62 = vector.broadcast %broadcast_in_dim3A_61 : vector<2048x1xi1> to vector<2048x64xi1>
    %select_n3A_63 = arith.select %broadcast_in_dim3A_62, %and3A_57, %and3A_60 : vector<2048x64xi1>, vector<2048x64xi32>
    %shift_left3A_64 = arith.constant 16 : i32
    %shift_left3A_65 = vector.broadcast %shift_left3A_64 : i32 to vector<2048x64xi32>
    %shift_left3A_66 = arith.shli %select_n3A_63, %shift_left3A_65 : vector<2048x64xi32>
    %bitcast_convert_type3A_67 = tpu.bitcast %shift_left3A_66 : vector<2048x64xi32> -> vector<2048x64xf32>
    %concatenate3A = tpu.concatenate %bitcast_convert_type3A, %bitcast_convert_type3A_67 in 1 : vector<2048x64xf32>, vector<2048x64xf32> -> vector<2048x128xf32>
    %get3A_68 = arith.constant 0 : index
    %get3A_69 = arith.constant 0 : index
    %get3A_70 = vector.load %arg4[%get3A_68, %get3A_69] : memref<128x128xf32, #tpu.memory_space<vmem>>, vector<128x128xf32>
    %dot_general3A = arith.constant dense<0.000000e+00> : vector<2048x128xf32>
    %dot_general3A_71 = tpu.matmul %concatenate3A, %get3A_70, %dot_general3A {dimension_numbers = #tpu.dot_dimension_numbers<[1], [1], [0], [0], [0, 0, 1, 0], [], []>, transpose_lhs_hint = false} : vector<2048x128xf32>, vector<128x128xf32>, vector<2048x128xf32> -> vector<2048x128xf32>
    %get3A_72 = arith.constant 0 : index
    %get3A_73 = arith.constant 0 : index
    %get3A_74 = vector.load %arg5[%get3A_72, %get3A_73] : memref<1x128xf32, #tpu.memory_space<vmem>>, vector<1x128xf32>
    %add3A = vector.broadcast %get3A_74 : vector<1x128xf32> to vector<2048x128xf32>
    %add3A_75 = arith.addf %dot_general3A_71, %add3A : vector<2048x128xf32>
    %max3A = arith.constant 0.000000e+00 : f32
    %max3A_76 = vector.broadcast %max3A : f32 to vector<2048x128xf32>
    %max3A_77 = arith.maximumf %add3A_75, %max3A_76 : vector<2048x128xf32>
    %get3A_78 = arith.constant 0 : index
    %get3A_79 = arith.constant 0 : index
    %get3A_80 = vector.load %arg6[%get3A_78, %get3A_79] : memref<1x128xf32, #tpu.memory_space<vmem>>, vector<1x128xf32>
    %mul3A = vector.broadcast %get3A_80 : vector<1x128xf32> to vector<2048x128xf32>
    %mul3A_81 = arith.mulf %max3A_77, %mul3A : vector<2048x128xf32>
    %reduce_sum3A = arith.constant dense<0.000000e+00> : vector<2048xf32>
    %reduce_sum3A_82 = vector.multi_reduction <add>, %mul3A_81, %reduce_sum3A [1] : vector<2048x128xf32> to vector<2048xf32>
    %broadcast_in_dim3A_83 = vector.shape_cast %reduce_sum3A_82 : vector<2048xf32> to vector<2048x1xf32>
    %get3A_84 = arith.constant 0 : index
    %get3A_85 = arith.constant 0 : index
    %get3A_86 = memref.load %arg7[%get3A_84, %get3A_85] : memref<1x1xf32, #tpu.memory_space<smem>>
    %add3A_87 = vector.broadcast %get3A_86 : f32 to vector<2048x1xf32>
    %add3A_88 = arith.addf %broadcast_in_dim3A_83, %add3A_87 : vector<2048x1xf32>
    %logistic3A = arith.negf %add3A_88 : vector<2048x1xf32>
    %logistic3A_89 = math.exp %logistic3A : vector<2048x1xf32>
    %logistic3A_90 = arith.constant 1.000000e+00 : f32
    %logistic3A_91 = vector.broadcast %logistic3A_90 : f32 to vector<2048x1xf32>
    %logistic3A_92 = arith.addf %logistic3A_91, %logistic3A_89 : vector<2048x1xf32>
    %logistic3A_93 = arith.divf %logistic3A_91, %logistic3A_92 : vector<2048x1xf32>
    %swap3A = arith.constant 0 : index
    %swap3A_94 = arith.constant 0 : index
    %swap3A_95 = vector.load %arg8[%swap3A, %swap3A_94] : memref<2048x1xf32, #tpu.memory_space<vmem>>, vector<2048x1xf32>
    tpu.vector_store %arg8[%swap3A, %swap3A_94], %logistic3A_93 {strides = array<i32>} : memref<2048x1xf32, #tpu.memory_space<vmem>>, vector<2048x1xf32>,
    return
  }
  func.func @transform_0(%arg0: i32) -> (i32, i32) {
    %c0_i32 = arith.constant 0 : i32
    %c0_i32_0 = arith.constant 0 : i32
    return %arg0, %c0_i32 : i32, i32
  }
  func.func @transform_1(%arg0: i32) -> (i32, i32) {
    %add3A = arith.constant 8 : i32
    %add3A_0 = arith.addi %arg0, %add3A : i32
    %c0_i32 = arith.constant 0 : i32
    %c0_i32_1 = arith.constant 0 : i32
    return %add3A_0, %c0_i32 : i32, i32
  }
  func.func @transform_2(%arg0: i32) -> (i32, i32) {
    %c0_i32 = arith.constant 0 : i32
    %c0_i32_0 = arith.constant 0 : i32
    return %arg0, %c0_i32 : i32, i32
  }
  func.func @transform_3(%arg0: i32) -> (i32, i32) {
    %c0_i32 = arith.constant 0 : i32
    %c0_i32_0 = arith.constant 0 : i32
    %c0_i32_1 = arith.constant 0 : i32
    return %c0_i32, %c0_i32_0 : i32, i32
  }
  func.func @transform_4(%arg0: i32) -> (i32, i32) {
    %c0_i32 = arith.constant 0 : i32
    %c0_i32_0 = arith.constant 0 : i32
    %c0_i32_1 = arith.constant 0 : i32
    return %c0_i32, %c0_i32_0 : i32, i32
  }
  func.func @transform_5(%arg0: i32) -> (i32, i32) {
    %c0_i32 = arith.constant 0 : i32
    %c0_i32_0 = arith.constant 0 : i32
    %c0_i32_1 = arith.constant 0 : i32
    return %c0_i32, %c0_i32_0 : i32, i32
  }
  func.func @transform_6(%arg0: i32) -> (i32, i32) {
    %c0_i32 = arith.constant 0 : i32
    %c0_i32_0 = arith.constant 0 : i32
    %c0_i32_1 = arith.constant 0 : i32
    return %c0_i32, %c0_i32_0 : i32, i32
  }
  func.func @transform_7(%arg0: i32) -> (i32, i32) {
    %c0_i32 = arith.constant 0 : i32
    %c0_i32_0 = arith.constant 0 : i32
    return %arg0, %c0_i32 : i32, i32
  }
}

</mosaic_0001>

<sc_bundles>
// kernel: kernel.5.cloned.1.call-start
scs
__scs_entry_jumppad:
0x0: {  	(pc) =	sbr.rel $0x88, $3  }
0x1: {  	(tag) =	ssettag $0x0;
	lr =	simm.s32 $0x1  }
0x2: {  	[smem:$0x3F9B] =	sst lr;
	_ =	strace $0xD0000000  }
0x3: {  	_ = 	snop  }
0x4: {  	_ = 	snop  }
0x5: {  	_ = 	snop  }
0x6: {  	_ = 	snop  }
0x7: {  	_ = 	snop  }
__scs_overlays_trampoline_lowered:
0x8: {  	[smem:$0x3FAA] =	sst s0  }
0x9: {  	[smem:$0x3FAB] =	sst s1  }
0xa: {  	[smem:$0x3FAC] =	sst s2  }
0xb: {  	[smem:$0x3FAD] =	sst s3  }
0xc: {  	[smem:$0x3FAE] =	sst s4  }
0xd: {  	[smem:$0x3FAF] =	sst s5  }
0xe: {  	[smem:$0x3FB0] =	sst s6  }
0xf: {  	[smem:$0x3FB1] =	sst s7  }
0x10: {  	[smem:$0x3FB2] =	sst s8  }
0x11: {  	[smem:$0x3FB3] =	sst s9;
	s0 =	simm.s32 @!p0 $0x0  }
0x12: {  	s1 =	sld [smem:$0x3F99];
	s0 =	simm.s32 @p0 $0x1  }
0x13: {  	[smem:$0x3FB4] =	sst s0;
	s0 =	simm.s32 @!p1 $0x0  }
0x14: {  	s2 =	sld [smem:$0x3F98];
	s0 =	simm.s32 @p1 $0x1  }
0x15: {  	[smem:$0x3FB5] =	sst s0;
	s0 =	simm.s32 @!p2 $0x0  }
0x16: {  	s3 =	sld [smem:$0x3FDB];
	s0 =	simm.s32 @p2 $0x1  }
0x17: {  	s4 =	simm.s32 $0x1BF5;
	[smem:$0x3FB7] =	sst s0  }
0x18: {  	s0 =	sld [smem:$0x3F9A];
	_ =	swait.ge [sflag:s4], $0x0  }
0x19: {  	s7 =	sld [smem:$0x3F9B]  }
0x1a: {  	s8 =	sadd.s32 $0xFFFFE003, lr  }
0x1b: {  	s9 =	sadd.s32 $0xFFFFFEF7, lr;
	s5 =	simm.s32 $0xFFFFFFFF;
	p2 =	slt.u32 s8, $0xFFFFF086  }
0x1c: {  	p1 =	slt.u32 s9, $0xF7A;
	s5 =	simm.s32 @!p2 $0x0  }
0x1d: {  	s5 =	simm.s32 @p1 $0x1;
	p0 =	seq.s32 s7, s2  }
0x1e: {  	s7 =	smul.u32 @!p0 $0xF7A, s2;
	p2 =	seq.s32 @!p0 s5, $0x0  }
0x1f: {  	s9 =	smul.u32 $0xF7A, s1;
	s8 =	simm.s32 @!p0 $0x1BF5;
	p2 =	por !p2, p0  }
0x20: {  	[sflag:s8] =	ssyncset.s32 @!p0 $0xFFFFF086;
	s6 =	sadd.s32 @!p0 s3, s7;
	s7 =	simm.s32 @!p0 $0x108  }
0x21: {  	s3 =	sadd.s32 s3, s9;
	s6 =	sadd.s32 @!p0 $0x88, s6;
	s7 =	simm.s32 @p2 $0x1082  }
0x22: {  	[simem:s7], [sflag:s8] =	dma.local @!p0 [hbm:s6], $0xF7A  }
0x23: {  	s9 =	sor.u32 $0xD0000000, s2;
	s6 =	simm.s32 $0x108;
	_ =	swait.ge @!p0 [sflag:s8], $0x0  }
0x24: {  	s3 =	sadd.s32 $0x88, s3;
	s6 =	simm.s32 @!p1 $0x1082;
	[sflag:s4] =	ssyncset.s32 $0xFFFFF086  }
0x25: {  	[simem:s6], [sflag:s4] =	dma.local [hbm:s3], $0xF7A  }
0x26: {  	[smem:$0x3F9B] =	sst s1;
	(tag) =	ssettag s2;
	_ =	strace s9  }
0x27: {  	s1 =	sld [smem:$0x3FAB]  }
0x28: {  	s2 =	sld [smem:$0x3FAC]  }
0x29: {  	s4 =	sld [smem:$0x3FAE]  }
0x2a: {  	p0 =	seq.s32 s5, $0x0;
	s5 =	sld [smem:$0x3FAF]  }
0x2b: {  	s6 =	sld [smem:$0x3FB0]  }
0x2c: {  	s7 =	sld [smem:$0x3FB1]  }
0x2d: {  	s3 =	simm.s32 $0x108;
	s8 =	sld [smem:$0x3FB2]  }
0x2e: {  	s3 =	simm.s32 @!p0 $0x1082;
	s9 =	sld [smem:$0x3FB3]  }
0x2f: {  	lr =	sadd.s32 s0, s3;
	s0 =	sld [smem:$0x3FAA]  }
0x30: {  	s3 =	sld [smem:$0x3FAD]  }
0x31: {  	[smem:$0x3FB6] =	sst s10  }
0x32: {  	s10 =	sld [smem:$0x3FB4];
	_ =	sdelay $0x3  }
0x33: {  	p0 =	seq.s32 s10, $0x1;
	s10 =	sld [smem:$0x3FB6];
	_ =	sdelay $0x3  }
0x34: {  	[smem:$0x3FB6] =	sst s10  }
0x35: {  	s10 =	sld [smem:$0x3FB5];
	_ =	sdelay $0x3  }
0x36: {  	p1 =	seq.s32 s10, $0x1;
	s10 =	sld [smem:$0x3FB6];
	_ =	sdelay $0x3  }
0x37: {  	[smem:$0x3FB6] =	sst s10  }
0x38: {  	s10 =	sld [smem:$0x3FB7]  }
0x39: {  	_ = 	snop;
	(pc) =	sbr.ind lr, $3  }
0x3a: {  	_ = 	snop  }
0x3b: {  	_ = 	snop  }
0x3c: {  	p2 =	seq.s32 s10, $0x1;
	s10 =	sld [smem:$0x3FB6]  }
0x3d: {  	_ =	shalt  }
0x3e: {  	_ =	shalt  }
0x3f: {  	_ =	shalt  }
0x40: {  	_ =	shalt  }
0x41: {  	_ =	shalt  }
0x42: {  	_ =	shalt  }
0x43: {  	_ =	shalt  }
0x44: {  	_ =	shalt  }
0x45: {  	_ =	shalt  }
0x46: {  	_ =	shalt  }
0x47: {  	_ =	shalt  }
0x48: {  	_ =	shalt  }
0x49: {  	_ =	shalt  }
0x4a: {  	_ =	shalt  }
0x4b: {  	_ =	shalt  }
0x4c: {  	_ =	shalt  }
0x4d: {  	_ =	shalt  }
0x4e: {  	_ =	shalt  }
0x4f: {  	_ =	shalt  }
0x50: {  	_ =	shalt  }
0x51: {  	_ =	shalt  }
0x52: {  	_ =	shalt  }
0x53: {  	_ =	shalt  }
0x54: {  	_ =	shalt  }
0x55: {  	_ =	shalt  }
0x56: {  	_ =	shalt  }
0x57: {  	_ =	shalt  }
0x58: {  	_ =	shalt  }
0x59: {  	_ =	shalt  }
0x5a: {  	_ =	shalt  }
0x5b: {  	_ =	shalt  }
0x5c: {  	_ =	shalt  }
0x5d: {  	_ =	shalt  }
0x5e: {  	_ =	shalt  }
0x5f: {  	_ =	shalt  }
0x60: {  	_ =	shalt  }
0x61: {  	_ =	shalt  }
0x62: {  	_ =	shalt  }
0x63: {  	_ =	shalt  }
0x64: {  	_ =	shalt  }
0x65: {  	_ =	shalt  }
0x66: {  	_ =	shalt  }
0x67: {  	_ =	shalt  }
0x68: {  	_ =	shalt  }
0x69: {  	_ =	shalt  }
0x6a: {  	_ =	shalt  }
0x6b: {  	_ =	shalt  }
0x6c: {  	_ =	shalt  }
0x6d: {  	_ =	shalt  }
0x6e: {  	_ =	shalt  }
0x6f: {  	_ =	shalt  }
0x70: {  	_ =	shalt  }
0x71: {  	_ =	shalt  }
0x72: {  	_ =	shalt  }
0x73: {  	_ =	shalt  }
0x74: {  	_ =	shalt  }
0x75: {  	_ =	shalt  }
0x76: {  	_ =	shalt  }
0x77: {  	_ =	shalt  }
0x78: {  	_ =	shalt  }
0x79: {  	_ =	shalt  }
0x7a: {  	_ =	shalt  }
0x7b: {  	_ =	shalt  }
0x7c: {  	_ =	shalt  }
0x7d: {  	_ =	shalt  }
0x7e: {  	_ =	shalt  }
0x7f: {  	_ =	shalt  }
0x80: {  	_ =	shalt  }
0x81: {  	_ =	shalt  }
0x82: {  	_ =	shalt  }
0x83: {  	_ =	shalt  }
0x84: {  	_ =	shalt  }
0x85: {  	_ =	shalt  }
0x86: {  	_ =	shalt  }
0x87: {  	_ =	shalt  }
.Lfunc_end0:
.L_simem_size_0:
called_computation_lowered:
.L_overlay_start_0:
0x88: {  	s2 =	sld [smem:$0x3FD9]  }
0x89: {  	s3 =	sld [smem:$0x3FFE];
	_ =	sdelay $0x1  }
0x8a: {  	s1 =	srdreg.scid  }
0x8b: {  	s0 =	sand.u32 $0x1, s1  }
0x8c: {  	s16 =	sshll.u32 s0, $0xA;
	s2 =	sadd.s32 s3, s2  }
0x8d: {  	s2 =	sadd.s32 s2, s16  }
0x8e: {  	[smem:$0x3FC2] =	sst s2  }
0x8f: {  	_ = 	snop  }
0x90: {  	(tm) =	ssettm $0x1  }
0x91: {  	s17 =	sld [smem:$0x3FFB];
	_ =	sdelay $0x3  }
0x92: {  	_ =	strace s17  }
0x93: {  	s2 =	sld [smem:$0x3FFC];
	_ =	sdelay $0x3  }
0x94: {  	_ =	strace s2  }
0x95: {  	s2 =	sld [smem:$0x3FFD];
	_ =	sdelay $0x3  }
0x96: {  	_ =	strace s2  }
0x97: {  	_ =	strace $0x8FFFFFFF  }
0x98: {  	s18 =	sld [smem:$0x3FDB];
	_ =	sdelay $0x1  }
0x99: {  	s19 =	simm.s32 $_scs_section_size  }
0x9a: {  	s4 =	simm.s32 $_size__tile_overlayer_lowered;
	s5 =	simm.s32 $_tile_overlayer_lowered  }
0x9b: {  	s22 =	simm.s32 $0x1BFF;
	s21 =	sshll.u32 s5, $0x1;
	s2 =	sadd.s32 s19, s18  }
0x9c: {  	s6 =	simm.s32 $0x0;
	s20 =	sshll.u32 s4, $0x1;
	s4 =	sadd.s32 s21, s2  }
0x9d: {  	[timem:s6], [sflag:s22] =	dma.local [hbm:s4], s20  }
0x9e: {  	_ =	swait.ge [sflag:s22], s20  }
0x9f: {  	s3 =	ssub.s32 $0x0, s20;
	[sflag:s22] =	ssyncset.done $0x0  }
0xa0: {  	[sflag:s22] =	ssyncadd.s32 s3;
	_ =	sdelay $0x1  }
0xa1: {  	s23 =	simm.s32 $0x1B8B  }
0xa2: {  	_ =	swait.ge [sflag:s23], $0x1  }
0xa3: {  	[sflag:s23] =	ssyncset.done $0x0  }
0xa4: {  	s25 =	simm.s32 $0x1B8E;
	s24 =	sld [smem:$0x3FFE];
	[sflag:s23] =	ssyncadd.s32 $0xFFFFFFFF  }
0xa5: {  	s26 =	simm.s32 $execute0_lowered;
	[smem:$0x3FD2] =	sst s25  }
0xa6: {  	s4 =	sshll.u32 s26, $0x1;
	_ =	strace $0x80000046;
	[dreg:$0x1] =	wrdreg $0xFFFFFFFF  }
0xa7: {  	s28 =	simm.s32 $_size_execute0_lowered;
	s2 =	sadd.s32 s2, s4;
	[dreg:$0x0] =	wrdreg $0x0  }
0xa8: {  	s4 =	sshll.u32 s28, $0x1;
	[dreg:$0x2] =	wrdreg s2  }
0xa9: {  	[dreg:$0x3] =	wrdreg s4  }
0xaa: {  	[dreg:$0x4] =	wrdreg $0xC0  }
0xab: {  	_ =	task [dreg:s6], $0x5FFFF  }
0xac: {  	[dreg:$0x1] =	wrdreg $0xFFFFFFFF  }
0xad: {  	[dreg:$0x0] =	wrdreg $0x60  }
0xae: {  	[dreg:$0x2] =	wrdreg s24  }
0xaf: {  	[dreg:$0x3] =	wrdreg $0x9  }
0xb0: {  	_ =	task.clear_ibuf [dreg:s6], $0x4FFFF;
	_ =	strace $0x90000046  }
0xb1: {  	s29 =	simm.s32 $0x9;
	_ =	strace $0x80000048  }
0xb2: {  	_ =	swait.ge [sflag:s29], $0x1  }
0xb3: {  	[sflag:s29] =	ssyncadd.s32 $0xFFFFFFFF  }
0xb4: {  	_ =	strace $0x90000048  }
0xb5: {  	_ =	sfence  }
0xb6: {  	s30 =	sld [smem:$0x0];
	_ =	sdelay $0x2  }
0xb7: {  	s31 =	sshll.u32 s1, $0xD;
	s1 =	sshrl.u32 s1, $0x2  }
0xb8: {  	s3 =	sand.u32 $0x4000, s31;
	s1 =	sadd.s32 s1, s30  }
0xb9: {  	s0 =	sor.u32 s3, s0;
	s1 =	sshll.u32 s1, $0x11  }
0xba: {  	s0 =	sor.u32 s1, s0  }
0xbb: {  	s0 =	sadd.s32 $0x8F2B, s0  }
0xbc: {  	[sflag:s0] =	ssyncadd.remote.s32 $0x1  }
0xbd: {  	_ =	sfence.sel $0xFFFF  }
0xbe: {  	[dreg:$0x0] =	wrdreg $0xFFFFFFFF;
	(pc) =	sbr.abs _section_cstart, $3  }
0xbf: {  	[dreg:$0x1] =	wrdreg $0xFFFFFFFF  }
0xc0: {  	_ =	task.clear_ibuf [dreg:s6], $0x2FFFF;
	_ =	strace $0x9FFFFFFF  }
0xc1: {  	(tm) =	ssettm $0x7FFFFFFF  }
tec
execute0_lowered:
.L_overlay_start_1:
0x0: {  	(tag) =	ssettag $0x1  }
0x1: {  	s1 =	srdreg.scid  }
0x2: {  	s0 =	stileid.u32;
	s31 =	sand.u32 $0x1, s1  }
0x3: {  	s26 =	sshll.u32 s0, $0xB;
	s2 =	sshll.u32 s31, $0xA  }
0x4: {  	s21 =	sor.u32 s2, s26  }
0x5: {  	s20 =	rddreg [dreg:$0x0];
	s2 =	simm.s32 $0x0;
	s3 =	sshrl.u32 s21, $0x3  }
0x6: {  	[smem:$0x7FF] =	sst s2;
	s3 =	sadd.s32 s3, s20  }
0x7: {  	s4 =	simm.s32 $0x3;
	_ =	strace $0x80000047;
	s3 =	sadd.s32 $0x2000, s3  }
0x8: {  	[tilespmem:s2], [sflag:$0x3] =	stream.linear.gather [hbm4b:s3+s2], $0x400, $0x38;
	[tilespmem:$0x1C400] =	vst v63  }
0x9: {  	_ =	swait.ge [sflag:s4], $0x400  }
0xa: {  	s6 =	simm.s32 $0x80;
	[sflag:s4] =	ssyncset.done $0x0  }
0xb: {  	s7 =	simm.s32 $0x400;
	s5 =	sadd.s32 $0x3000, s20;
	[sflag:s4] =	ssyncadd.s32 $0xFFFFFC00  }
0xc: {  	[tilespmem:s7], [sflag:$0x1] =	stream.indirect.gather [hbm4b:s5+s6], $0x80, s2, s6, $0xb8;
	[tilespmem:$0x1C400] =	vst v63  }
0xd: {  	s8 =	simm.s32 $0x4400  }
0xe: {  	[tilespmem:s8], [sflag:$0x1] =	stream.indirect.gather [hbm4b:s5+s6], $0x80, s6, s6, $0xb8;
	[tilespmem:$0x1C400] =	vst v63  }
0xf: {  	s9 =	simm.s32 $0x100;
	s10 =	simm.s32 $0x8400  }
0x10: {  	[tilespmem:s10], [sflag:$0x1] =	stream.indirect.gather [hbm4b:s5+s6], $0x80, s9, s6, $0xb8;
	[tilespmem:$0x1C400] =	vst v63  }
0x11: {  	s11 =	simm.s32 $0x180;
	s12 =	simm.s32 $0xC400  }
0x12: {  	[tilespmem:s12], [sflag:$0x1] =	stream.indirect.gather [hbm4b:s5+s6], $0x80, s11, s6, $0xb8;
	[tilespmem:$0x1C400] =	vst v63  }
0x13: {  	s13 =	simm.s32 $0x200;
	s14 =	simm.s32 $0x10400  }
0x14: {  	[tilespmem:s14], [sflag:$0x1] =	stream.indirect.gather [hbm4b:s5+s6], $0x80, s13, s6, $0xb8;
	[tilespmem:$0x1C400] =	vst v63  }
0x15: {  	s15 =	simm.s32 $0x280;
	s16 =	simm.s32 $0x14400  }
0x16: {  	[tilespmem:s16], [sflag:$0x1] =	stream.indirect.gather [hbm4b:s5+s6], $0x80, s15, s6, $0xb8;
	[tilespmem:$0x1C400] =	vst v63  }
0x17: {  	s17 =	simm.s32 $0x300;
	s18 =	simm.s32 $0x18400;
	s19 =	simm.s32 $0x1  }
0x18: {  	[tilespmem:s18], [sflag:$0x1] =	stream.indirect.gather [hbm4b:s5+s6], $0x80, s17, s6, $0xb8;
	[tilespmem:$0x1C400] =	vst v63  }
0x19: {  	s21 =	sshll.u32 s21, $0x4;
	_ =	swait.ge [sflag:s19], $0x4000  }
0x1a: {  	s30 =	sadd.s32 s21, s20;
	[sflag:s19] =	ssyncset.done $0x0  }
0x1b: {  	s20 =	simm.s32 $0x2;
	s21 =	sadd.s32 $0x3E3000, s30;
	[sflag:s19] =	ssyncadd.s32 $0xFFFFC000  }
0x1c: {  	[hbm4b:s21+s2] =	stream.linear.scatter [tilespmem:s7], [sflag:$0x2], $0x4000, $0x38;
	[tilespmem:$0x1C400] =	vst v63  }
0x1d: {  	_ =	swait.ge [sflag:s20], $0x4000  }
0x1e: {  	[sflag:s20] =	ssyncset.done $0x0  }
0x1f: {  	s22 =	simm.s32 $0x380;
	[sflag:s20] =	ssyncadd.s32 $0xFFFFC000  }
0x20: {  	[tilespmem:s7], [sflag:$0x1] =	stream.indirect.gather [hbm4b:s5+s6], $0x80, s22, s6, $0xb8;
	[tilespmem:$0x1C400] =	vst v63  }
0x21: {  	_ =	swait.ge [sflag:s19], $0x4000  }
0x22: {  	[sflag:s19] =	ssyncset.done $0x0  }
0x23: {  	s23 =	sadd.s32 $0x3E3800, s30;
	[sflag:s19] =	ssyncadd.s32 $0xFFFFC000  }
0x24: {  	[hbm4b:s23+s2] =	stream.linear.scatter [tilespmem:s8], [sflag:$0x2], $0x4000, $0x38;
	[tilespmem:$0x1C400] =	vst v63  }
0x25: {  	_ =	swait.ge [sflag:s19], $0x4000  }
0x26: {  	[sflag:s19] =	ssyncset.done $0x0  }
0x27: {  	s24 =	sadd.s32 $0x3E4000, s30;
	[sflag:s19] =	ssyncadd.s32 $0xFFFFC000  }
0x28: {  	[hbm4b:s24+s2] =	stream.linear.scatter [tilespmem:s10], [sflag:$0x2], $0x4000, $0x38;
	[tilespmem:$0x1C400] =	vst v63  }
0x29: {  	_ =	swait.ge [sflag:s19], $0x4000  }
0x2a: {  	[sflag:s19] =	ssyncset.done $0x0  }
0x2b: {  	s25 =	sadd.s32 $0x3E4800, s30;
	[sflag:s19] =	ssyncadd.s32 $0xFFFFC000  }
0x2c: {  	[hbm4b:s25+s2] =	stream.linear.scatter [tilespmem:s12], [sflag:$0x2], $0x4000, $0x38;
	[tilespmem:$0x1C400] =	vst v63  }
0x2d: {  	_ =	swait.ge [sflag:s19], $0x4000  }
0x2e: {  	[sflag:s19] =	ssyncset.done $0x0  }
0x2f: {  	s26 =	sadd.s32 $0x3E5000, s30;
	[sflag:s19] =	ssyncadd.s32 $0xFFFFC000  }
0x30: {  	[hbm4b:s26+s2] =	stream.linear.scatter [tilespmem:s14], [sflag:$0x2], $0x4000, $0x38;
	[tilespmem:$0x1C400] =	vst v63  }
0x31: {  	_ =	swait.ge [sflag:s19], $0x4000  }
0x32: {  	[sflag:s19] =	ssyncset.done $0x0  }
0x33: {  	s28 =	sadd.s32 $0x3E5800, s30;
	[sflag:s19] =	ssyncadd.s32 $0xFFFFC000  }
0x34: {  	[hbm4b:s28+s2] =	stream.linear.scatter [tilespmem:s16], [sflag:$0x2], $0x4000, $0x38;
	[tilespmem:$0x1C400] =	vst v63  }
0x35: {  	_ =	swait.ge [sflag:s19], $0x4000  }
0x36: {  	[sflag:s19] =	ssyncset.done $0x0  }
0x37: {  	s29 =	sadd.s32 $0x3E6000, s30;
	[sflag:s19] =	ssyncadd.s32 $0xFFFFC000  }
0x38: {  	[hbm4b:s29+s2] =	stream.linear.scatter [tilespmem:s18], [sflag:$0x2], $0x4000, $0x38;
	[tilespmem:$0x1C400] =	vst v63  }
0x39: {  	_ =	swait.ge [sflag:s19], $0x4000  }
0x3a: {  	[sflag:s19] =	ssyncset.done $0x0  }
0x3b: {  	s30 =	sadd.s32 $0x3E6800, s30;
	[sflag:s19] =	ssyncadd.s32 $0xFFFFC000  }
0x3c: {  	[hbm4b:s30+s2] =	stream.linear.scatter [tilespmem:s7], [sflag:$0x2], $0x4000, $0x38;
	[tilespmem:$0x1C400] =	vst v63  }
0x3d: {  	_ =	swait.ge [sflag:s20], $0x4000  }
0x3e: {  	[sflag:s20] =	ssyncset.done $0x0  }
0x3f: {  	[sflag:s20] =	ssyncadd.s32 $0xFFFFC000  }
0x40: {  	_ =	swait.ge [sflag:s20], $0x4000  }
0x41: {  	[sflag:s20] =	ssyncset.done $0x0  }
0x42: {  	[sflag:s20] =	ssyncadd.s32 $0xFFFFC000  }
0x43: {  	_ =	swait.ge [sflag:s20], $0x4000  }
0x44: {  	[sflag:s20] =	ssyncset.done $0x0  }
0x45: {  	[sflag:s20] =	ssyncadd.s32 $0xFFFFC000  }
0x46: {  	_ =	swait.ge [sflag:s20], $0x4000  }
0x47: {  	s31 =	ssub.s32 $0x2, s31;
	[sflag:s20] =	ssyncset.done $0x0  }
0x48: {  	s1 =	sshrl.u32 s31, $0x1;
	[sflag:s20] =	ssyncadd.s32 $0xFFFFC000  }
0x49: {  	s1 =	ssub.s32 s31, s1;
	_ =	swait.ge [sflag:s20], $0x4000  }
0x4a: {  	s1 =	smax.u32 s1, $0x1;
	[sflag:s20] =	ssyncset.done $0x0  }
0x4b: {  	p0 =	sne.s32 s1, $0x1;
	[sflag:s20] =	ssyncadd.s32 $0xFFFFC000  }
.Ltmp0:
0x4c: {  	_ =	swait.ge [sflag:s20], $0x4000;
	(pc) =	sbr.rel @!p0 .LBB2_2-.Ltmp0, $4  }
0x4d: {  	[sflag:s20] =	ssyncset.done $0x0  }
0x4e: {  	[sflag:s20] =	ssyncadd.s32 $0xFFFFC000  }
0x4f: {  	_ =	swait.ge [sflag:s20], $0x4000  }
0x50: {  	s31 =	sadd.s32 $0xFFFFFFFF, s1;
	[sflag:s20] =	ssyncset.done $0x0  }
.LBB2_1:
0x51: {  	p0 =	sne.s32 s31, $0x1;
	s31 =	sadd.s32 $0xFFFFFFFF, s31;
	[sflag:s20] =	ssyncadd.s32 $0xFFFFC000  }
0x52: {  	[tilespmem:s2], [sflag:$0x3] =	stream.linear.gather [hbm4b:s3+s2], $0x400, $0x38;
	[tilespmem:$0x1C400] =	vst v63  }
0x53: {  	_ =	swait.ge [sflag:s4], $0x400  }
0x54: {  	[sflag:s4] =	ssyncset.done $0x0  }
0x55: {  	[sflag:s4] =	ssyncadd.s32 $0xFFFFFC00  }
0x56: {  	[tilespmem:s7], [sflag:$0x1] =	stream.indirect.gather [hbm4b:s5+s6], $0x80, s2, s6, $0xb8;
	[tilespmem:$0x1C400] =	vst v63  }
0x57: {  	_ = 	snop  }
0x58: {  	[tilespmem:s8], [sflag:$0x1] =	stream.indirect.gather [hbm4b:s5+s6], $0x80, s6, s6, $0xb8;
	[tilespmem:$0x1C400] =	vst v63  }
0x59: {  	_ = 	snop  }
0x5a: {  	[tilespmem:s10], [sflag:$0x1] =	stream.indirect.gather [hbm4b:s5+s6], $0x80, s9, s6, $0xb8;
	[tilespmem:$0x1C400] =	vst v63  }
0x5b: {  	_ = 	snop  }
0x5c: {  	[tilespmem:s12], [sflag:$0x1] =	stream.indirect.gather [hbm4b:s5+s6], $0x80, s11, s6, $0xb8;
	[tilespmem:$0x1C400] =	vst v63  }
0x5d: {  	_ = 	snop  }
0x5e: {  	[tilespmem:s14], [sflag:$0x1] =	stream.indirect.gather [hbm4b:s5+s6], $0x80, s13, s6, $0xb8;
	[tilespmem:$0x1C400] =	vst v63  }
0x5f: {  	_ = 	snop  }
0x60: {  	[tilespmem:s16], [sflag:$0x1] =	stream.indirect.gather [hbm4b:s5+s6], $0x80, s15, s6, $0xb8;
	[tilespmem:$0x1C400] =	vst v63  }
0x61: {  	_ = 	snop  }
0x62: {  	[tilespmem:s18], [sflag:$0x1] =	stream.indirect.gather [hbm4b:s5+s6], $0x80, s17, s6, $0xb8;
	[tilespmem:$0x1C400] =	vst v63  }
0x63: {  	_ =	swait.ge [sflag:s19], $0x4000  }
0x64: {  	[sflag:s19] =	ssyncset.done $0x0  }
0x65: {  	[sflag:s19] =	ssyncadd.s32 $0xFFFFC000  }
0x66: {  	[hbm4b:s21+s2] =	stream.linear.scatter [tilespmem:s7], [sflag:$0x2], $0x4000, $0x38;
	[tilespmem:$0x1C400] =	vst v63  }
0x67: {  	_ =	swait.ge [sflag:s20], $0x4000  }
0x68: {  	[sflag:s20] =	ssyncset.done $0x0  }
0x69: {  	[sflag:s20] =	ssyncadd.s32 $0xFFFFC000  }
0x6a: {  	[tilespmem:s7], [sflag:$0x1] =	stream.indirect.gather [hbm4b:s5+s6], $0x80, s22, s6, $0xb8;
	[tilespmem:$0x1C400] =	vst v63  }
0x6b: {  	_ =	swait.ge [sflag:s19], $0x4000  }
0x6c: {  	[sflag:s19] =	ssyncset.done $0x0  }
0x6d: {  	[sflag:s19] =	ssyncadd.s32 $0xFFFFC000  }
0x6e: {  	[hbm4b:s23+s2] =	stream.linear.scatter [tilespmem:s8], [sflag:$0x2], $0x4000, $0x38;
	[tilespmem:$0x1C400] =	vst v63  }
0x6f: {  	_ =	swait.ge [sflag:s19], $0x4000  }
0x70: {  	[sflag:s19] =	ssyncset.done $0x0  }
0x71: {  	[sflag:s19] =	ssyncadd.s32 $0xFFFFC000  }
0x72: {  	[hbm4b:s24+s2] =	stream.linear.scatter [tilespmem:s10], [sflag:$0x2], $0x4000, $0x38;
	[tilespmem:$0x1C400] =	vst v63  }
0x73: {  	_ =	swait.ge [sflag:s19], $0x4000  }
0x74: {  	[sflag:s19] =	ssyncset.done $0x0  }
0x75: {  	[sflag:s19] =	ssyncadd.s32 $0xFFFFC000  }
0x76: {  	[hbm4b:s25+s2] =	stream.linear.scatter [tilespmem:s12], [sflag:$0x2], $0x4000, $0x38;
	[tilespmem:$0x1C400] =	vst v63  }
0x77: {  	_ =	swait.ge [sflag:s19], $0x4000  }
0x78: {  	[sflag:s19] =	ssyncset.done $0x0  }
0x79: {  	[sflag:s19] =	ssyncadd.s32 $0xFFFFC000  }
0x7a: {  	[hbm4b:s26+s2] =	stream.linear.scatter [tilespmem:s14], [sflag:$0x2], $0x4000, $0x38;
	[tilespmem:$0x1C400] =	vst v63  }
0x7b: {  	_ =	swait.ge [sflag:s19], $0x4000  }
0x7c: {  	[sflag:s19] =	ssyncset.done $0x0  }
0x7d: {  	[sflag:s19] =	ssyncadd.s32 $0xFFFFC000  }
0x7e: {  	[hbm4b:s28+s2] =	stream.linear.scatter [tilespmem:s16], [sflag:$0x2], $0x4000, $0x38;
	[tilespmem:$0x1C400] =	vst v63  }
0x7f: {  	_ =	swait.ge [sflag:s19], $0x4000  }
0x80: {  	[sflag:s19] =	ssyncset.done $0x0  }
0x81: {  	[sflag:s19] =	ssyncadd.s32 $0xFFFFC000  }
0x82: {  	[hbm4b:s29+s2] =	stream.linear.scatter [tilespmem:s18], [sflag:$0x2], $0x4000, $0x38;
	[tilespmem:$0x1C400] =	vst v63  }
0x83: {  	_ =	swait.ge [sflag:s19], $0x4000  }
0x84: {  	[sflag:s19] =	ssyncset.done $0x0  }
0x85: {  	[sflag:s19] =	ssyncadd.s32 $0xFFFFC000  }
0x86: {  	[hbm4b:s30+s2] =	stream.linear.scatter [tilespmem:s7], [sflag:$0x2], $0x4000, $0x38;
	[tilespmem:$0x1C400] =	vst v63  }
0x87: {  	_ =	swait.ge [sflag:s20], $0x4000  }
0x88: {  	[sflag:s20] =	ssyncset.done $0x0  }
0x89: {  	[sflag:s20] =	ssyncadd.s32 $0xFFFFC000  }
0x8a: {  	_ =	swait.ge [sflag:s20], $0x4000  }
0x8b: {  	[sflag:s20] =	ssyncset.done $0x0  }
0x8c: {  	[sflag:s20] =	ssyncadd.s32 $0xFFFFC000  }
0x8d: {  	_ =	swait.ge [sflag:s20], $0x4000  }
0x8e: {  	[sflag:s20] =	ssyncset.done $0x0  }
0x8f: {  	[sflag:s20] =	ssyncadd.s32 $0xFFFFC000  }
0x90: {  	_ =	swait.ge [sflag:s20], $0x4000  }
0x91: {  	[sflag:s20] =	ssyncset.done $0x0  }
0x92: {  	[sflag:s20] =	ssyncadd.s32 $0xFFFFC000  }
0x93: {  	_ =	swait.ge [sflag:s20], $0x4000  }
0x94: {  	[sflag:s20] =	ssyncset.done $0x0  }
0x95: {  	[sflag:s20] =	ssyncadd.s32 $0xFFFFC000  }
.Ltmp1:
0x96: {  	_ =	swait.ge [sflag:s20], $0x4000;
	(pc) =	sbr.rel @p0 .LBB2_1-.Ltmp1, $4  }
0x97: {  	[sflag:s20] =	ssyncset.done $0x0  }
0x98: {  	[sflag:s20] =	ssyncadd.s32 $0xFFFFC000  }
0x99: {  	_ =	swait.ge [sflag:s20], $0x4000  }
0x9a: {  	[sflag:s20] =	ssyncset.done $0x0  }
.LBB2_2:
0x9b: {  	[sflag:s20] =	ssyncadd.s32 $0xFFFFC000  }
0x9c: {  	_ =	sfence.sel $0x180000  }
0x9d: {  	[bflag:$0x0] =	sbarrier.arrive $0xFFFF  }
0x9e: {  	_ =	strace $0x90000047  }
0x9f: {  	[bflag:$0x2] =	sbarrier.arrive $0xFFFF  }
0xa0: {  	p0 =	sne.s32 s0, $0x0;
	s0 =	rddreg [dreg:$0x1]  }
0xa1: {  	s0 =	sadd.s32 @!p0 $0x100000, s0  }
0xa2: {  	[sflag:s0] =	ssyncadd.tile.s32 @!p0 $0x1;
	_ =	shalt  }
.Lfunc_end2:
_tile_overlayer_lowered:
.L_overlay_start_2:
0xa3: {  	(tag) =	ssettag $0x2  }
0xa4: {  	s0 =	rddreg [dreg:$0x0];
	s2 =	stileid.u32  }
0xa5: {  	s1 =	rddreg [dreg:$0x1];
	p0 =	sne.s32 s2, $0x0  }
0xa6: {  	s3 =	rddreg [dreg:$0x2];
	[bflag:$0x3] =	sbarrier.arrive $0xFFFF;
	s2 =	simm.s32 @!p0 $0x1C03  }
0xa7: {  	[timem:s3], [sflag:s2] =	dma.local @!p0 [hbm:s0], s1  }
0xa8: {  	s0 =	simm.s32 @!p0 $0x3  }
0xa9: {  	_ =	swait.ge @!p0 [sflag:s0], s1  }
0xaa: {  	s1 =	ssub.s32 @!p0 $0x0, s1;
	[sflag:s0] =	ssyncset.done @!p0 $0x0  }
0xab: {  	[sflag:s0] =	ssyncadd.s32 @!p0 s1  }
0xac: {  	[bflag:$0x3] =	sbarrier.arrive $0xFFFF  }
0xad: {  	_ =	shalt  }

</sc_bundles>
